<compile_context>
chip_gen: v7x
topology: tpu7x:2x2x1
jax: 0.10.2.dev20260603
libtpu: 0.0.44.dev20260713+nightly
codegen_flags: <defaults>
</compile_context>

<pallas_src>
import functools

import jax
import jax.numpy as jnp
from jax import lax
from jax.experimental import pallas as pl
from jax.experimental.pallas import tpu as pltpu
from jax.experimental.pallas import tpu_sc as plsc

F = 26
V = 100000
D = 32
B = 16384

NC = 2
NS = 16
NW = NC * NS
BPW = B // NW
CHUNK = 32
NCB = BPW // CHUNK


def _sc_body(tab_hbm, x_hbm, out_hbm, xblk_v, stage_v, acc_v, sem):
    wid = lax.axis_index("s") * NC + lax.axis_index("c")
    base_b = wid * BPW

    pltpu.sync_copy(x_hbm.at[:, pl.ds(wid * NCB, NCB), :], xblk_v)

    def issue(cb):
        for f in range(F):
            pltpu.async_copy(tab_hbm.at[f].at[xblk_v.at[f, cb]],
                             stage_v.at[lax.rem(cb, 2), f], sem)

    def drain(p):
        pltpu.make_async_copy(tab_hbm.at[:, pl.ds(0, CHUNK), :],
                              stage_v.at[p], sem).wait()

    issue(0)

    def cb_body(cb, c):
        p = lax.rem(cb, 2)
        drain(p)

        @pl.when(cb + 1 < NCB)
        def _():
            issue(cb + 1)

        def row_body(r, c2):
            s_lo = stage_v[p, 0, r, pl.ds(0, 16)]
            s_hi = stage_v[p, 0, r, pl.ds(16, 16)]
            for f in range(1, F):
                s_lo = s_lo + stage_v[p, f, r, pl.ds(0, 16)]
                s_hi = s_hi + stage_v[p, f, r, pl.ds(16, 16)]
            acc_v[cb * CHUNK + r, pl.ds(0, 16)] = s_lo
            acc_v[cb * CHUNK + r, pl.ds(16, 16)] = s_hi
            return c2

        lax.fori_loop(0, CHUNK, row_body, 0)
        return c

    lax.fori_loop(0, NCB, cb_body, 0)

    pltpu.sync_copy(acc_v, out_hbm.at[pl.ds(base_b, BPW)])


@jax.jit
def _sc_lookup(tables, x3):
    mesh = plsc.VectorSubcoreMesh(core_axis_name="c", subcore_axis_name="s",
                                  num_cores=NC, num_subcores=NS)
    return pl.kernel(
        _sc_body,
        out_type=jax.ShapeDtypeStruct((B, D), jnp.float32),
        mesh=mesh,
        scratch_types=[
            pltpu.VMEM((F, NCB, CHUNK), jnp.int32),
            pltpu.VMEM((2, F, CHUNK, D), jnp.float32),
            pltpu.VMEM((BPW, D), jnp.float32),
            pltpu.SemaphoreType.DMA,
        ],
        compiler_params=pltpu.CompilerParams(use_tc_tiling_on_sc=False,
                                             needs_layout_passes=False),
    )(tables, x3)


def kernel(x, tables):
    x3 = x.T.reshape(F, B // CHUNK, CHUNK)
    return _sc_lookup(tables, x3)

# --- scband reference (transcript-rebuilt; emitter-appended) ---
"""Pipeline reference for scband-encoder-base-7902739824895 (READ-ONLY COPY).

The authoritative reference and input builder live on the scoring server;
editing this copy changes nothing except your own understanding.
"""

import jax, jax.numpy as jnp
import numpy as np

NUM_FIELDS = 26
VOCAB = 100000
EMB_DIM = 32
BATCH = 16384


def setup_inputs(seed: int = 0) -> dict:
    key = jax.random.key(seed)
    k_idx, k_tab = jax.random.split(key)
    x = jax.random.randint(k_idx, (BATCH, NUM_FIELDS), 0, VOCAB, dtype=jnp.int32)
    # xavier_uniform init per table: bound = sqrt(6 / (fan_in + fan_out))
    bound = float(np.sqrt(6.0 / (VOCAB + EMB_DIM)))
    tables = jax.random.uniform(
        k_tab, (NUM_FIELDS, VOCAB, EMB_DIM), minval=-bound, maxval=bound,
        dtype=jnp.float32)
    return {"x": x, "tables": tables}


def reference(x, tables):
    # embed_x = sum_i embeddings[i](x[:, i])
    F = tables.shape[0]
    field_ids = jnp.arange(F)[None, :]  # [1, F]
    gathered = tables[field_ids, x]     # [B, F, D] advanced-index gather
    embed_x = jnp.sum(gathered, axis=1)  # [B, D]
    return embed_x

if __name__ == "__main__":
    import jax
    _d = setup_inputs()
    print(jax.jit(kernel)(*tuple(_d.values())))

</pallas_src>

<mosaic_0001>
#map = affine_map<(d0, d1) -> (0, 0, 0)>
#map1 = affine_map<(d0, d1) -> (0, 0)>
module attributes {stable_mosaic.version = 14 : i64} {
  func.func @_sc_body(%arg0: i32, %arg1: i32, %arg2: memref<26x100000x32xf32, #tpu.memory_space<hbm>>, %arg3: memref<26x512x32xi32, #tpu.memory_space<hbm>>, %arg4: memref<16384x32xf32, #tpu.memory_space<hbm>>, %arg5: memref<26x16x32xi32, #tpu.memory_space<vmem>>, %arg6: memref<2x26x32x32xf32, #tpu.memory_space<vmem>>, %arg7: memref<512x32xf32, #tpu.memory_space<vmem>>, %arg8: memref<!tpu.dma_semaphore, #tpu.memory_space<semaphore_mem>>) attributes {dimension_semantics = [#tpu.dimension_semantics<core_parallel>, #tpu.dimension_semantics<subcore_parallel>], iteration_bounds = array<i64: 2, 16>, scalar_prefetch = 0 : i64, scratch_operands = 4 : i64, tpu.core_type = #tpu.core_type<sc_vector_subcore>, window_params = [{transform_indices = #map}, {transform_indices = #map}, {transform_indices = #map1}]} {
    %mul3A = arith.constant 2 : i32
    %mul3A_0 = arith.muli %arg1, %mul3A : i32
    %add3A = arith.addi %mul3A_0, %arg0 : i32
    %mul3A_1 = arith.constant 512 : i32
    %mul3A_2 = arith.muli %add3A, %mul3A_1 : i32
    %mul3A_3 = arith.constant 16 : i32
    %mul3A_4 = arith.muli %add3A, %mul3A_3 : i32
    "tpu.region"() ({
      %run_scoped3A = tpu.sem_alloc : memref<!tpu.dma_semaphore, #tpu.memory_space<semaphore_mem>>
      %dma_start3A_554 = arith.constant 0 : i32
      %dma_start3A_555 = arith.constant 0 : i32
      %dma_start3A_556 = tpu.memref_slice %arg3[%dma_start3A_554, %mul3A_4, %dma_start3A_555] : memref<26x512x32xi32, #tpu.memory_space<hbm>> -> memref<26x16x32xi32, #tpu.memory_space<hbm>>
      %dma_start3A_557 = arith.constant 0 : i32
      %dma_start3A_558 = arith.constant 0 : i32
      %dma_start3A_559 = tpu.memref_slice %arg3[%dma_start3A_557, %mul3A_4, %dma_start3A_558] : memref<26x512x32xi32, #tpu.memory_space<hbm>> -> memref<26x16x32xi32, #tpu.memory_space<hbm>>
      tpu.enqueue_dma source(%dma_start3A_559 : memref<26x16x32xi32, #tpu.memory_space<hbm>>) target(%arg5 : memref<26x16x32xi32, #tpu.memory_space<vmem>>) target_semaphore(%run_scoped3A : memref<!tpu.dma_semaphore, #tpu.memory_space<semaphore_mem>>)
      %dma_wait3A = arith.constant 0 : i32
      %dma_wait3A_560 = arith.constant 0 : i32
      %dma_wait3A_561 = tpu.memref_slice %arg3[%dma_wait3A, %mul3A_4, %dma_wait3A_560] : memref<26x512x32xi32, #tpu.memory_space<hbm>> -> memref<26x16x32xi32, #tpu.memory_space<hbm>>
      %dma_wait3A_562 = arith.constant 0 : i32
      %dma_wait3A_563 = arith.constant 0 : i32
      %dma_wait3A_564 = tpu.memref_slice %arg3[%dma_wait3A_562, %mul3A_4, %dma_wait3A_563] : memref<26x512x32xi32, #tpu.memory_space<hbm>> -> memref<26x16x32xi32, #tpu.memory_space<hbm>>
      tpu.wait_dma2 semaphore(%run_scoped3A : memref<!tpu.dma_semaphore, #tpu.memory_space<semaphore_mem>>) src(%dma_wait3A_564 : memref<26x16x32xi32, #tpu.memory_space<hbm>>) dst(%arg5 : memref<26x16x32xi32, #tpu.memory_space<vmem>>)
      tpu.yield
    }) : () -> ()
    %rem3A = arith.constant 0 : i32
    %rem3A_5 = arith.constant 2 : i32
    %rem3A_6 = arith.remsi %rem3A, %rem3A_5 : i32
    %dma_start3A = arith.constant 0 : i32
    %dma_start3A_7 = arith.constant 0 : i32
    %dma_start3A_8 = arith.constant 0 : i32
    %dma_start3A_9 = arith.constant 0 : i32
    %dma_start3A_10 = arith.constant 0 : i32
    %dma_start3A_11 = arith.constant 0 : i32
    %dma_start3A_12 = tpu.memref_slice %arg6[%rem3A_6, %dma_start3A_9, %dma_start3A_10, %dma_start3A_11] : memref<2x26x32x32xf32, #tpu.memory_space<vmem>> -> memref<1x1x32x32xf32, #tpu.memory_space<vmem>>
    %dma_start3A_13 = tpu.memref_squeeze %dma_start3A_12 : memref<1x1x32x32xf32, #tpu.memory_space<vmem>> -> memref<32x32xf32, #tpu.memory_space<vmem>>
    %dma_start3A_14 = arith.constant 0 : i32
    %dma_start3A_15 = tpu.memref_slice %arg5[%dma_start3A_7, %dma_start3A_8, %dma_start3A_14] : memref<26x16x32xi32, #tpu.memory_space<vmem>> -> memref<1x1x32xi32, #tpu.memory_space<vmem>>
    %dma_start3A_16 = tpu.memref_squeeze %dma_start3A_15 : memref<1x1x32xi32, #tpu.memory_space<vmem>> -> memref<32xi32, #tpu.memory_space<vmem>>
    %dma_start3A_17 = arith.constant 0 : i32
    %dma_start3A_18 = arith.constant 0 : i32
    %dma_start3A_19 = tpu.memref_slice %arg2[%dma_start3A, %dma_start3A_17, %dma_start3A_18] : memref<26x100000x32xf32, #tpu.memory_space<hbm>> -> memref<1x100000x32xf32, #tpu.memory_space<hbm>>
    %dma_start3A_20 = tpu.memref_squeeze %dma_start3A_19 : memref<1x100000x32xf32, #tpu.memory_space<hbm>> -> memref<100000x32xf32, #tpu.memory_space<hbm>>
    %dma_start3A_21 = arith.constant 0 : i32
    %dma_start3A_22 = arith.constant 0 : i32
    %dma_start3A_23 = tpu.memref_slice %dma_start3A_20[%dma_start3A_21, %dma_start3A_22] : memref<100000x32xf32, #tpu.memory_space<hbm>> -> memref<100000x32xf32, #tpu.memory_space<hbm>>
    tpu.enqueue_indirect_dma source(%dma_start3A_23 : memref<100000x32xf32, #tpu.memory_space<hbm>>) target(%dma_start3A_13 : memref<32x32xf32, #tpu.memory_space<vmem>>) offsets(%dma_start3A_16 : memref<32xi32, #tpu.memory_space<vmem>>) semaphore(%arg8 : memref<!tpu.dma_semaphore, #tpu.memory_space<semaphore_mem>>)
    %rem3A_24 = arith.constant 0 : i32
    %rem3A_25 = arith.constant 2 : i32
    %rem3A_26 = arith.remsi %rem3A_24, %rem3A_25 : i32
    %dma_start3A_27 = arith.constant 1 : i32
    %dma_start3A_28 = arith.constant 1 : i32
    %dma_start3A_29 = arith.constant 0 : i32
    %dma_start3A_30 = arith.constant 1 : i32
    %dma_start3A_31 = arith.constant 0 : i32
    %dma_start3A_32 = arith.constant 0 : i32
    %dma_start3A_33 = tpu.memref_slice %arg6[%rem3A_26, %dma_start3A_30, %dma_start3A_31, %dma_start3A_32] : memref<2x26x32x32xf32, #tpu.memory_space<vmem>> -> memref<1x1x32x32xf32, #tpu.memory_space<vmem>>
    %dma_start3A_34 = tpu.memref_squeeze %dma_start3A_33 : memref<1x1x32x32xf32, #tpu.memory_space<vmem>> -> memref<32x32xf32, #tpu.memory_space<vmem>>
    %dma_start3A_35 = arith.constant 0 : i32
    %dma_start3A_36 = tpu.memref_slice %arg5[%dma_start3A_28, %dma_start3A_29, %dma_start3A_35] : memref<26x16x32xi32, #tpu.memory_space<vmem>> -> memref<1x1x32xi32, #tpu.memory_space<vmem>>
    %dma_start3A_37 = tpu.memref_squeeze %dma_start3A_36 : memref<1x1x32xi32, #tpu.memory_space<vmem>> -> memref<32xi32, #tpu.memory_space<vmem>>
    %dma_start3A_38 = arith.constant 0 : i32
    %dma_start3A_39 = arith.constant 0 : i32
    %dma_start3A_40 = tpu.memref_slice %arg2[%dma_start3A_27, %dma_start3A_38, %dma_start3A_39] : memref<26x100000x32xf32, #tpu.memory_space<hbm>> -> memref<1x100000x32xf32, #tpu.memory_space<hbm>>
    %dma_start3A_41 = tpu.memref_squeeze %dma_start3A_40 : memref<1x100000x32xf32, #tpu.memory_space<hbm>> -> memref<100000x32xf32, #tpu.memory_space<hbm>>
    %dma_start3A_42 = arith.constant 0 : i32
    %dma_start3A_43 = arith.constant 0 : i32
    %dma_start3A_44 = tpu.memref_slice %dma_start3A_41[%dma_start3A_42, %dma_start3A_43] : memref<100000x32xf32, #tpu.memory_space<hbm>> -> memref<100000x32xf32, #tpu.memory_space<hbm>>
    tpu.enqueue_indirect_dma source(%dma_start3A_44 : memref<100000x32xf32, #tpu.memory_space<hbm>>) target(%dma_start3A_34 : memref<32x32xf32, #tpu.memory_space<vmem>>) offsets(%dma_start3A_37 : memref<32xi32, #tpu.memory_space<vmem>>) semaphore(%arg8 : memref<!tpu.dma_semaphore, #tpu.memory_space<semaphore_mem>>)
    %rem3A_45 = arith.constant 0 : i32
    %rem3A_46 = arith.constant 2 : i32
    %rem3A_47 = arith.remsi %rem3A_45, %rem3A_46 : i32
    %dma_start3A_48 = arith.constant 2 : i32
    %dma_start3A_49 = arith.constant 2 : i32
    %dma_start3A_50 = arith.constant 0 : i32
    %dma_start3A_51 = arith.constant 2 : i32
    %dma_start3A_52 = arith.constant 0 : i32
    %dma_start3A_53 = arith.constant 0 : i32
    %dma_start3A_54 = tpu.memref_slice %arg6[%rem3A_47, %dma_start3A_51, %dma_start3A_52, %dma_start3A_53] : memref<2x26x32x32xf32, #tpu.memory_space<vmem>> -> memref<1x1x32x32xf32, #tpu.memory_space<vmem>>
    %dma_start3A_55 = tpu.memref_squeeze %dma_start3A_54 : memref<1x1x32x32xf32, #tpu.memory_space<vmem>> -> memref<32x32xf32, #tpu.memory_space<vmem>>
    %dma_start3A_56 = arith.constant 0 : i32
    %dma_start3A_57 = tpu.memref_slice %arg5[%dma_start3A_49, %dma_start3A_50, %dma_start3A_56] : memref<26x16x32xi32, #tpu.memory_space<vmem>> -> memref<1x1x32xi32, #tpu.memory_space<vmem>>
    %dma_start3A_58 = tpu.memref_squeeze %dma_start3A_57 : memref<1x1x32xi32, #tpu.memory_space<vmem>> -> memref<32xi32, #tpu.memory_space<vmem>>
    %dma_start3A_59 = arith.constant 0 : i32
    %dma_start3A_60 = arith.constant 0 : i32
    %dma_start3A_61 = tpu.memref_slice %arg2[%dma_start3A_48, %dma_start3A_59, %dma_start3A_60] : memref<26x100000x32xf32, #tpu.memory_space<hbm>> -> memref<1x100000x32xf32, #tpu.memory_space<hbm>>
    %dma_start3A_62 = tpu.memref_squeeze %dma_start3A_61 : memref<1x100000x32xf32, #tpu.memory_space<hbm>> -> memref<100000x32xf32, #tpu.memory_space<hbm>>
    %dma_start3A_63 = arith.constant 0 : i32
    %dma_start3A_64 = arith.constant 0 : i32
    %dma_start3A_65 = tpu.memref_slice %dma_start3A_62[%dma_start3A_63, %dma_start3A_64] : memref<100000x32xf32, #tpu.memory_space<hbm>> -> memref<100000x32xf32, #tpu.memory_space<hbm>>
    tpu.enqueue_indirect_dma source(%dma_start3A_65 : memref<100000x32xf32, #tpu.memory_space<hbm>>) target(%dma_start3A_55 : memref<32x32xf32, #tpu.memory_space<vmem>>) offsets(%dma_start3A_58 : memref<32xi32, #tpu.memory_space<vmem>>) semaphore(%arg8 : memref<!tpu.dma_semaphore, #tpu.memory_space<semaphore_mem>>)
    %rem3A_66 = arith.constant 0 : i32
    %rem3A_67 = arith.constant 2 : i32
    %rem3A_68 = arith.remsi %rem3A_66, %rem3A_67 : i32
    %dma_start3A_69 = arith.constant 3 : i32
    %dma_start3A_70 = arith.constant 3 : i32
    %dma_start3A_71 = arith.constant 0 : i32
    %dma_start3A_72 = arith.constant 3 : i32
    %dma_start3A_73 = arith.constant 0 : i32
    %dma_start3A_74 = arith.constant 0 : i32
    %dma_start3A_75 = tpu.memref_slice %arg6[%rem3A_68, %dma_start3A_72, %dma_start3A_73, %dma_start3A_74] : memref<2x26x32x32xf32, #tpu.memory_space<vmem>> -> memref<1x1x32x32xf32, #tpu.memory_space<vmem>>
    %dma_start3A_76 = tpu.memref_squeeze %dma_start3A_75 : memref<1x1x32x32xf32, #tpu.memory_space<vmem>> -> memref<32x32xf32, #tpu.memory_space<vmem>>
    %dma_start3A_77 = arith.constant 0 : i32
    %dma_start3A_78 = tpu.memref_slice %arg5[%dma_start3A_70, %dma_start3A_71, %dma_start3A_77] : memref<26x16x32xi32, #tpu.memory_space<vmem>> -> memref<1x1x32xi32, #tpu.memory_space<vmem>>
    %dma_start3A_79 = tpu.memref_squeeze %dma_start3A_78 : memref<1x1x32xi32, #tpu.memory_space<vmem>> -> memref<32xi32, #tpu.memory_space<vmem>>
    %dma_start3A_80 = arith.constant 0 : i32
    %dma_start3A_81 = arith.constant 0 : i32
    %dma_start3A_82 = tpu.memref_slice %arg2[%dma_start3A_69, %dma_start3A_80, %dma_start3A_81] : memref<26x100000x32xf32, #tpu.memory_space<hbm>> -> memref<1x100000x32xf32, #tpu.memory_space<hbm>>
    %dma_start3A_83 = tpu.memref_squeeze %dma_start3A_82 : memref<1x100000x32xf32, #tpu.memory_space<hbm>> -> memref<100000x32xf32, #tpu.memory_space<hbm>>
    %dma_start3A_84 = arith.constant 0 : i32
    %dma_start3A_85 = arith.constant 0 : i32
    %dma_start3A_86 = tpu.memref_slice %dma_start3A_83[%dma_start3A_84, %dma_start3A_85] : memref<100000x32xf32, #tpu.memory_space<hbm>> -> memref<100000x32xf32, #tpu.memory_space<hbm>>
    tpu.enqueue_indirect_dma source(%dma_start3A_86 : memref<100000x32xf32, #tpu.memory_space<hbm>>) target(%dma_start3A_76 : memref<32x32xf32, #tpu.memory_space<vmem>>) offsets(%dma_start3A_79 : memref<32xi32, #tpu.memory_space<vmem>>) semaphore(%arg8 : memref<!tpu.dma_semaphore, #tpu.memory_space<semaphore_mem>>)
    %rem3A_87 = arith.constant 0 : i32
    %rem3A_88 = arith.constant 2 : i32
    %rem3A_89 = arith.remsi %rem3A_87, %rem3A_88 : i32
    %dma_start3A_90 = arith.constant 4 : i32
    %dma_start3A_91 = arith.constant 4 : i32
    %dma_start3A_92 = arith.constant 0 : i32
    %dma_start3A_93 = arith.constant 4 : i32
    %dma_start3A_94 = arith.constant 0 : i32
    %dma_start3A_95 = arith.constant 0 : i32
    %dma_start3A_96 = tpu.memref_slice %arg6[%rem3A_89, %dma_start3A_93, %dma_start3A_94, %dma_start3A_95] : memref<2x26x32x32xf32, #tpu.memory_space<vmem>> -> memref<1x1x32x32xf32, #tpu.memory_space<vmem>>
    %dma_start3A_97 = tpu.memref_squeeze %dma_start3A_96 : memref<1x1x32x32xf32, #tpu.memory_space<vmem>> -> memref<32x32xf32, #tpu.memory_space<vmem>>
    %dma_start3A_98 = arith.constant 0 : i32
    %dma_start3A_99 = tpu.memref_slice %arg5[%dma_start3A_91, %dma_start3A_92, %dma_start3A_98] : memref<26x16x32xi32, #tpu.memory_space<vmem>> -> memref<1x1x32xi32, #tpu.memory_space<vmem>>
    %dma_start3A_100 = tpu.memref_squeeze %dma_start3A_99 : memref<1x1x32xi32, #tpu.memory_space<vmem>> -> memref<32xi32, #tpu.memory_space<vmem>>
    %dma_start3A_101 = arith.constant 0 : i32
    %dma_start3A_102 = arith.constant 0 : i32
    %dma_start3A_103 = tpu.memref_slice %arg2[%dma_start3A_90, %dma_start3A_101, %dma_start3A_102] : memref<26x100000x32xf32, #tpu.memory_space<hbm>> -> memref<1x100000x32xf32, #tpu.memory_space<hbm>>
    %dma_start3A_104 = tpu.memref_squeeze %dma_start3A_103 : memref<1x100000x32xf32, #tpu.memory_space<hbm>> -> memref<100000x32xf32, #tpu.memory_space<hbm>>
    %dma_start3A_105 = arith.constant 0 : i32
    %dma_start3A_106 = arith.constant 0 : i32
    %dma_start3A_107 = tpu.memref_slice %dma_start3A_104[%dma_start3A_105, %dma_start3A_106] : memref<100000x32xf32, #tpu.memory_space<hbm>> -> memref<100000x32xf32, #tpu.memory_space<hbm>>
    tpu.enqueue_indirect_dma source(%dma_start3A_107 : memref<100000x32xf32, #tpu.memory_space<hbm>>) target(%dma_start3A_97 : memref<32x32xf32, #tpu.memory_space<vmem>>) offsets(%dma_start3A_100 : memref<32xi32, #tpu.memory_space<vmem>>) semaphore(%arg8 : memref<!tpu.dma_semaphore, #tpu.memory_space<semaphore_mem>>)
    %rem3A_108 = arith.constant 0 : i32
    %rem3A_109 = arith.constant 2 : i32
    %rem3A_110 = arith.remsi %rem3A_108, %rem3A_109 : i32
    %dma_start3A_111 = arith.constant 5 : i32
    %dma_start3A_112 = arith.constant 5 : i32
    %dma_start3A_113 = arith.constant 0 : i32
    %dma_start3A_114 = arith.constant 5 : i32
    %dma_start3A_115 = arith.constant 0 : i32
    %dma_start3A_116 = arith.constant 0 : i32
    %dma_start3A_117 = tpu.memref_slice %arg6[%rem3A_110, %dma_start3A_114, %dma_start3A_115, %dma_start3A_116] : memref<2x26x32x32xf32, #tpu.memory_space<vmem>> -> memref<1x1x32x32xf32, #tpu.memory_space<vmem>>
    %dma_start3A_118 = tpu.memref_squeeze %dma_start3A_117 : memref<1x1x32x32xf32, #tpu.memory_space<vmem>> -> memref<32x32xf32, #tpu.memory_space<vmem>>
    %dma_start3A_119 = arith.constant 0 : i32
    %dma_start3A_120 = tpu.memref_slice %arg5[%dma_start3A_112, %dma_start3A_113, %dma_start3A_119] : memref<26x16x32xi32, #tpu.memory_space<vmem>> -> memref<1x1x32xi32, #tpu.memory_space<vmem>>
    %dma_start3A_121 = tpu.memref_squeeze %dma_start3A_120 : memref<1x1x32xi32, #tpu.memory_space<vmem>> -> memref<32xi32, #tpu.memory_space<vmem>>
    %dma_start3A_122 = arith.constant 0 : i32
    %dma_start3A_123 = arith.constant 0 : i32
    %dma_start3A_124 = tpu.memref_slice %arg2[%dma_start3A_111, %dma_start3A_122, %dma_start3A_123] : memref<26x100000x32xf32, #tpu.memory_space<hbm>> -> memref<1x100000x32xf32, #tpu.memory_space<hbm>>
    %dma_start3A_125 = tpu.memref_squeeze %dma_start3A_124 : memref<1x100000x32xf32, #tpu.memory_space<hbm>> -> memref<100000x32xf32, #tpu.memory_space<hbm>>
    %dma_start3A_126 = arith.constant 0 : i32
    %dma_start3A_127 = arith.constant 0 : i32
    %dma_start3A_128 = tpu.memref_slice %dma_start3A_125[%dma_start3A_126, %dma_start3A_127] : memref<100000x32xf32, #tpu.memory_space<hbm>> -> memref<100000x32xf32, #tpu.memory_space<hbm>>
    tpu.enqueue_indirect_dma source(%dma_start3A_128 : memref<100000x32xf32, #tpu.memory_space<hbm>>) target(%dma_start3A_118 : memref<32x32xf32, #tpu.memory_space<vmem>>) offsets(%dma_start3A_121 : memref<32xi32, #tpu.memory_space<vmem>>) semaphore(%arg8 : memref<!tpu.dma_semaphore, #tpu.memory_space<semaphore_mem>>)
    %rem3A_129 = arith.constant 0 : i32
    %rem3A_130 = arith.constant 2 : i32
    %rem3A_131 = arith.remsi %rem3A_129, %rem3A_130 : i32
    %dma_start3A_132 = arith.constant 6 : i32
    %dma_start3A_133 = arith.constant 6 : i32
    %dma_start3A_134 = arith.constant 0 : i32
    %dma_start3A_135 = arith.constant 6 : i32
    %dma_start3A_136 = arith.constant 0 : i32
    %dma_start3A_137 = arith.constant 0 : i32
    %dma_start3A_138 = tpu.memref_slice %arg6[%rem3A_131, %dma_start3A_135, %dma_start3A_136, %dma_start3A_137] : memref<2x26x32x32xf32, #tpu.memory_space<vmem>> -> memref<1x1x32x32xf32, #tpu.memory_space<vmem>>
    %dma_start3A_139 = tpu.memref_squeeze %dma_start3A_138 : memref<1x1x32x32xf32, #tpu.memory_space<vmem>> -> memref<32x32xf32, #tpu.memory_space<vmem>>
    %dma_start3A_140 = arith.constant 0 : i32
    %dma_start3A_141 = tpu.memref_slice %arg5[%dma_start3A_133, %dma_start3A_134, %dma_start3A_140] : memref<26x16x32xi32, #tpu.memory_space<vmem>> -> memref<1x1x32xi32, #tpu.memory_space<vmem>>
    %dma_start3A_142 = tpu.memref_squeeze %dma_start3A_141 : memref<1x1x32xi32, #tpu.memory_space<vmem>> -> memref<32xi32, #tpu.memory_space<vmem>>
    %dma_start3A_143 = arith.constant 0 : i32
    %dma_start3A_144 = arith.constant 0 : i32
    %dma_start3A_145 = tpu.memref_slice %arg2[%dma_start3A_132, %dma_start3A_143, %dma_start3A_144] : memref<26x100000x32xf32, #tpu.memory_space<hbm>> -> memref<1x100000x32xf32, #tpu.memory_space<hbm>>
    %dma_start3A_146 = tpu.memref_squeeze %dma_start3A_145 : memref<1x100000x32xf32, #tpu.memory_space<hbm>> -> memref<100000x32xf32, #tpu.memory_space<hbm>>
    %dma_start3A_147 = arith.constant 0 : i32
    %dma_start3A_148 = arith.constant 0 : i32
    %dma_start3A_149 = tpu.memref_slice %dma_start3A_146[%dma_start3A_147, %dma_start3A_148] : memref<100000x32xf32, #tpu.memory_space<hbm>> -> memref<100000x32xf32, #tpu.memory_space<hbm>>
    tpu.enqueue_indirect_dma source(%dma_start3A_149 : memref<100000x32xf32, #tpu.memory_space<hbm>>) target(%dma_start3A_139 : memref<32x32xf32, #tpu.memory_space<vmem>>) offsets(%dma_start3A_142 : memref<32xi32, #tpu.memory_space<vmem>>) semaphore(%arg8 : memref<!tpu.dma_semaphore, #tpu.memory_space<semaphore_mem>>)
    %rem3A_150 = arith.constant 0 : i32
    %rem3A_151 = arith.constant 2 : i32
    %rem3A_152 = arith.remsi %rem3A_150, %rem3A_151 : i32
    %dma_start3A_153 = arith.constant 7 : i32
    %dma_start3A_154 = arith.constant 7 : i32
    %dma_start3A_155 = arith.constant 0 : i32
    %dma_start3A_156 = arith.constant 7 : i32
    %dma_start3A_157 = arith.constant 0 : i32
    %dma_start3A_158 = arith.constant 0 : i32
    %dma_start3A_159 = tpu.memref_slice %arg6[%rem3A_152, %dma_start3A_156, %dma_start3A_157, %dma_start3A_158] : memref<2x26x32x32xf32, #tpu.memory_space<vmem>> -> memref<1x1x32x32xf32, #tpu.memory_space<vmem>>
    %dma_start3A_160 = tpu.memref_squeeze %dma_start3A_159 : memref<1x1x32x32xf32, #tpu.memory_space<vmem>> -> memref<32x32xf32, #tpu.memory_space<vmem>>
    %dma_start3A_161 = arith.constant 0 : i32
    %dma_start3A_162 = tpu.memref_slice %arg5[%dma_start3A_154, %dma_start3A_155, %dma_start3A_161] : memref<26x16x32xi32, #tpu.memory_space<vmem>> -> memref<1x1x32xi32, #tpu.memory_space<vmem>>
    %dma_start3A_163 = tpu.memref_squeeze %dma_start3A_162 : memref<1x1x32xi32, #tpu.memory_space<vmem>> -> memref<32xi32, #tpu.memory_space<vmem>>
    %dma_start3A_164 = arith.constant 0 : i32
    %dma_start3A_165 = arith.constant 0 : i32
    %dma_start3A_166 = tpu.memref_slice %arg2[%dma_start3A_153, %dma_start3A_164, %dma_start3A_165] : memref<26x100000x32xf32, #tpu.memory_space<hbm>> -> memref<1x100000x32xf32, #tpu.memory_space<hbm>>
    %dma_start3A_167 = tpu.memref_squeeze %dma_start3A_166 : memref<1x100000x32xf32, #tpu.memory_space<hbm>> -> memref<100000x32xf32, #tpu.memory_space<hbm>>
    %dma_start3A_168 = arith.constant 0 : i32
    %dma_start3A_169 = arith.constant 0 : i32
    %dma_start3A_170 = tpu.memref_slice %dma_start3A_167[%dma_start3A_168, %dma_start3A_169] : memref<100000x32xf32, #tpu.memory_space<hbm>> -> memref<100000x32xf32, #tpu.memory_space<hbm>>
    tpu.enqueue_indirect_dma source(%dma_start3A_170 : memref<100000x32xf32, #tpu.memory_space<hbm>>) target(%dma_start3A_160 : memref<32x32xf32, #tpu.memory_space<vmem>>) offsets(%dma_start3A_163 : memref<32xi32, #tpu.memory_space<vmem>>) semaphore(%arg8 : memref<!tpu.dma_semaphore, #tpu.memory_space<semaphore_mem>>)
    %rem3A_171 = arith.constant 0 : i32
    %rem3A_172 = arith.constant 2 : i32
    %rem3A_173 = arith.remsi %rem3A_171, %rem3A_172 : i32
    %dma_start3A_174 = arith.constant 8 : i32
    %dma_start3A_175 = arith.constant 8 : i32
    %dma_start3A_176 = arith.constant 0 : i32
    %dma_start3A_177 = arith.constant 8 : i32
    %dma_start3A_178 = arith.constant 0 : i32
    %dma_start3A_179 = arith.constant 0 : i32
    %dma_start3A_180 = tpu.memref_slice %arg6[%rem3A_173, %dma_start3A_177, %dma_start3A_178, %dma_start3A_179] : memref<2x26x32x32xf32, #tpu.memory_space<vmem>> -> memref<1x1x32x32xf32, #tpu.memory_space<vmem>>
    %dma_start3A_181 = tpu.memref_squeeze %dma_start3A_180 : memref<1x1x32x32xf32, #tpu.memory_space<vmem>> -> memref<32x32xf32, #tpu.memory_space<vmem>>
    %dma_start3A_182 = arith.constant 0 : i32
    %dma_start3A_183 = tpu.memref_slice %arg5[%dma_start3A_175, %dma_start3A_176, %dma_start3A_182] : memref<26x16x32xi32, #tpu.memory_space<vmem>> -> memref<1x1x32xi32, #tpu.memory_space<vmem>>
    %dma_start3A_184 = tpu.memref_squeeze %dma_start3A_183 : memref<1x1x32xi32, #tpu.memory_space<vmem>> -> memref<32xi32, #tpu.memory_space<vmem>>
    %dma_start3A_185 = arith.constant 0 : i32
    %dma_start3A_186 = arith.constant 0 : i32
    %dma_start3A_187 = tpu.memref_slice %arg2[%dma_start3A_174, %dma_start3A_185, %dma_start3A_186] : memref<26x100000x32xf32, #tpu.memory_space<hbm>> -> memref<1x100000x32xf32, #tpu.memory_space<hbm>>
    %dma_start3A_188 = tpu.memref_squeeze %dma_start3A_187 : memref<1x100000x32xf32, #tpu.memory_space<hbm>> -> memref<100000x32xf32, #tpu.memory_space<hbm>>
    %dma_start3A_189 = arith.constant 0 : i32
    %dma_start3A_190 = arith.constant 0 : i32
    %dma_start3A_191 = tpu.memref_slice %dma_start3A_188[%dma_start3A_189, %dma_start3A_190] : memref<100000x32xf32, #tpu.memory_space<hbm>> -> memref<100000x32xf32, #tpu.memory_space<hbm>>
    tpu.enqueue_indirect_dma source(%dma_start3A_191 : memref<100000x32xf32, #tpu.memory_space<hbm>>) target(%dma_start3A_181 : memref<32x32xf32, #tpu.memory_space<vmem>>) offsets(%dma_start3A_184 : memref<32xi32, #tpu.memory_space<vmem>>) semaphore(%arg8 : memref<!tpu.dma_semaphore, #tpu.memory_space<semaphore_mem>>)
    %rem3A_192 = arith.constant 0 : i32
    %rem3A_193 = arith.constant 2 : i32
    %rem3A_194 = arith.remsi %rem3A_192, %rem3A_193 : i32
    %dma_start3A_195 = arith.constant 9 : i32
    %dma_start3A_196 = arith.constant 9 : i32
    %dma_start3A_197 = arith.constant 0 : i32
    %dma_start3A_198 = arith.constant 9 : i32
    %dma_start3A_199 = arith.constant 0 : i32
    %dma_start3A_200 = arith.constant 0 : i32
    %dma_start3A_201 = tpu.memref_slice %arg6[%rem3A_194, %dma_start3A_198, %dma_start3A_199, %dma_start3A_200] : memref<2x26x32x32xf32, #tpu.memory_space<vmem>> -> memref<1x1x32x32xf32, #tpu.memory_space<vmem>>
    %dma_start3A_202 = tpu.memref_squeeze %dma_start3A_201 : memref<1x1x32x32xf32, #tpu.memory_space<vmem>> -> memref<32x32xf32, #tpu.memory_space<vmem>>
    %dma_start3A_203 = arith.constant 0 : i32
    %dma_start3A_204 = tpu.memref_slice %arg5[%dma_start3A_196, %dma_start3A_197, %dma_start3A_203] : memref<26x16x32xi32, #tpu.memory_space<vmem>> -> memref<1x1x32xi32, #tpu.memory_space<vmem>>
    %dma_start3A_205 = tpu.memref_squeeze %dma_start3A_204 : memref<1x1x32xi32, #tpu.memory_space<vmem>> -> memref<32xi32, #tpu.memory_space<vmem>>
    %dma_start3A_206 = arith.constant 0 : i32
    %dma_start3A_207 = arith.constant 0 : i32
    %dma_start3A_208 = tpu.memref_slice %arg2[%dma_start3A_195, %dma_start3A_206, %dma_start3A_207] : memref<26x100000x32xf32, #tpu.memory_space<hbm>> -> memref<1x100000x32xf32, #tpu.memory_space<hbm>>
    %dma_start3A_209 = tpu.memref_squeeze %dma_start3A_208 : memref<1x100000x32xf32, #tpu.memory_space<hbm>> -> memref<100000x32xf32, #tpu.memory_space<hbm>>
    %dma_start3A_210 = arith.constant 0 : i32
    %dma_start3A_211 = arith.constant 0 : i32
    %dma_start3A_212 = tpu.memref_slice %dma_start3A_209[%dma_start3A_210, %dma_start3A_211] : memref<100000x32xf32, #tpu.memory_space<hbm>> -> memref<100000x32xf32, #tpu.memory_space<hbm>>
    tpu.enqueue_indirect_dma source(%dma_start3A_212 : memref<100000x32xf32, #tpu.memory_space<hbm>>) target(%dma_start3A_202 : memref<32x32xf32, #tpu.memory_space<vmem>>) offsets(%dma_start3A_205 : memref<32xi32, #tpu.memory_space<vmem>>) semaphore(%arg8 : memref<!tpu.dma_semaphore, #tpu.memory_space<semaphore_mem>>)
    %rem3A_213 = arith.constant 0 : i32
    %rem3A_214 = arith.constant 2 : i32
    %rem3A_215 = arith.remsi %rem3A_213, %rem3A_214 : i32
    %dma_start3A_216 = arith.constant 10 : i32
    %dma_start3A_217 = arith.constant 10 : i32
    %dma_start3A_218 = arith.constant 0 : i32
    %dma_start3A_219 = arith.constant 10 : i32
    %dma_start3A_220 = arith.constant 0 : i32
    %dma_start3A_221 = arith.constant 0 : i32
    %dma_start3A_222 = tpu.memref_slice %arg6[%rem3A_215, %dma_start3A_219, %dma_start3A_220, %dma_start3A_221] : memref<2x26x32x32xf32, #tpu.memory_space<vmem>> -> memref<1x1x32x32xf32, #tpu.memory_space<vmem>>
    %dma_start3A_223 = tpu.memref_squeeze %dma_start3A_222 : memref<1x1x32x32xf32, #tpu.memory_space<vmem>> -> memref<32x32xf32, #tpu.memory_space<vmem>>
    %dma_start3A_224 = arith.constant 0 : i32
    %dma_start3A_225 = tpu.memref_slice %arg5[%dma_start3A_217, %dma_start3A_218, %dma_start3A_224] : memref<26x16x32xi32, #tpu.memory_space<vmem>> -> memref<1x1x32xi32, #tpu.memory_space<vmem>>
    %dma_start3A_226 = tpu.memref_squeeze %dma_start3A_225 : memref<1x1x32xi32, #tpu.memory_space<vmem>> -> memref<32xi32, #tpu.memory_space<vmem>>
    %dma_start3A_227 = arith.constant 0 : i32
    %dma_start3A_228 = arith.constant 0 : i32
    %dma_start3A_229 = tpu.memref_slice %arg2[%dma_start3A_216, %dma_start3A_227, %dma_start3A_228] : memref<26x100000x32xf32, #tpu.memory_space<hbm>> -> memref<1x100000x32xf32, #tpu.memory_space<hbm>>
    %dma_start3A_230 = tpu.memref_squeeze %dma_start3A_229 : memref<1x100000x32xf32, #tpu.memory_space<hbm>> -> memref<100000x32xf32, #tpu.memory_space<hbm>>
    %dma_start3A_231 = arith.constant 0 : i32
    %dma_start3A_232 = arith.constant 0 : i32
    %dma_start3A_233 = tpu.memref_slice %dma_start3A_230[%dma_start3A_231, %dma_start3A_232] : memref<100000x32xf32, #tpu.memory_space<hbm>> -> memref<100000x32xf32, #tpu.memory_space<hbm>>
    tpu.enqueue_indirect_dma source(%dma_start3A_233 : memref<100000x32xf32, #tpu.memory_space<hbm>>) target(%dma_start3A_223 : memref<32x32xf32, #tpu.memory_space<vmem>>) offsets(%dma_start3A_226 : memref<32xi32, #tpu.memory_space<vmem>>) semaphore(%arg8 : memref<!tpu.dma_semaphore, #tpu.memory_space<semaphore_mem>>)
    %rem3A_234 = arith.constant 0 : i32
    %rem3A_235 = arith.constant 2 : i32
    %rem3A_236 = arith.remsi %rem3A_234, %rem3A_235 : i32
    %dma_start3A_237 = arith.constant 11 : i32
    %dma_start3A_238 = arith.constant 11 : i32
    %dma_start3A_239 = arith.constant 0 : i32
    %dma_start3A_240 = arith.constant 11 : i32
    %dma_start3A_241 = arith.constant 0 : i32
    %dma_start3A_242 = arith.constant 0 : i32
    %dma_start3A_243 = tpu.memref_slice %arg6[%rem3A_236, %dma_start3A_240, %dma_start3A_241, %dma_start3A_242] : memref<2x26x32x32xf32, #tpu.memory_space<vmem>> -> memref<1x1x32x32xf32, #tpu.memory_space<vmem>>
    %dma_start3A_244 = tpu.memref_squeeze %dma_start3A_243 : memref<1x1x32x32xf32, #tpu.memory_space<vmem>> -> memref<32x32xf32, #tpu.memory_space<vmem>>
    %dma_start3A_245 = arith.constant 0 : i32
    %dma_start3A_246 = tpu.memref_slice %arg5[%dma_start3A_238, %dma_start3A_239, %dma_start3A_245] : memref<26x16x32xi32, #tpu.memory_space<vmem>> -> memref<1x1x32xi32, #tpu.memory_space<vmem>>
    %dma_start3A_247 = tpu.memref_squeeze %dma_start3A_246 : memref<1x1x32xi32, #tpu.memory_space<vmem>> -> memref<32xi32, #tpu.memory_space<vmem>>
    %dma_start3A_248 = arith.constant 0 : i32
    %dma_start3A_249 = arith.constant 0 : i32
    %dma_start3A_250 = tpu.memref_slice %arg2[%dma_start3A_237, %dma_start3A_248, %dma_start3A_249] : memref<26x100000x32xf32, #tpu.memory_space<hbm>> -> memref<1x100000x32xf32, #tpu.memory_space<hbm>>
    %dma_start3A_251 = tpu.memref_squeeze %dma_start3A_250 : memref<1x100000x32xf32, #tpu.memory_space<hbm>> -> memref<100000x32xf32, #tpu.memory_space<hbm>>
    %dma_start3A_252 = arith.constant 0 : i32
    %dma_start3A_253 = arith.constant 0 : i32
    %dma_start3A_254 = tpu.memref_slice %dma_start3A_251[%dma_start3A_252, %dma_start3A_253] : memref<100000x32xf32, #tpu.memory_space<hbm>> -> memref<100000x32xf32, #tpu.memory_space<hbm>>
    tpu.enqueue_indirect_dma source(%dma_start3A_254 : memref<100000x32xf32, #tpu.memory_space<hbm>>) target(%dma_start3A_244 : memref<32x32xf32, #tpu.memory_space<vmem>>) offsets(%dma_start3A_247 : memref<32xi32, #tpu.memory_space<vmem>>) semaphore(%arg8 : memref<!tpu.dma_semaphore, #tpu.memory_space<semaphore_mem>>)
    %rem3A_255 = arith.constant 0 : i32
    %rem3A_256 = arith.constant 2 : i32
    %rem3A_257 = arith.remsi %rem3A_255, %rem3A_256 : i32
    %dma_start3A_258 = arith.constant 12 : i32
    %dma_start3A_259 = arith.constant 12 : i32
    %dma_start3A_260 = arith.constant 0 : i32
    %dma_start3A_261 = arith.constant 12 : i32
    %dma_start3A_262 = arith.constant 0 : i32
    %dma_start3A_263 = arith.constant 0 : i32
    %dma_start3A_264 = tpu.memref_slice %arg6[%rem3A_257, %dma_start3A_261, %dma_start3A_262, %dma_start3A_263] : memref<2x26x32x32xf32, #tpu.memory_space<vmem>> -> memref<1x1x32x32xf32, #tpu.memory_space<vmem>>
    %dma_start3A_265 = tpu.memref_squeeze %dma_start3A_264 : memref<1x1x32x32xf32, #tpu.memory_space<vmem>> -> memref<32x32xf32, #tpu.memory_space<vmem>>
    %dma_start3A_266 = arith.constant 0 : i32
    %dma_start3A_267 = tpu.memref_slice %arg5[%dma_start3A_259, %dma_start3A_260, %dma_start3A_266] : memref<26x16x32xi32, #tpu.memory_space<vmem>> -> memref<1x1x32xi32, #tpu.memory_space<vmem>>
    %dma_start3A_268 = tpu.memref_squeeze %dma_start3A_267 : memref<1x1x32xi32, #tpu.memory_space<vmem>> -> memref<32xi32, #tpu.memory_space<vmem>>
    %dma_start3A_269 = arith.constant 0 : i32
    %dma_start3A_270 = arith.constant 0 : i32
    %dma_start3A_271 = tpu.memref_slice %arg2[%dma_start3A_258, %dma_start3A_269, %dma_start3A_270] : memref<26x100000x32xf32, #tpu.memory_space<hbm>> -> memref<1x100000x32xf32, #tpu.memory_space<hbm>>
    %dma_start3A_272 = tpu.memref_squeeze %dma_start3A_271 : memref<1x100000x32xf32, #tpu.memory_space<hbm>> -> memref<100000x32xf32, #tpu.memory_space<hbm>>
    %dma_start3A_273 = arith.constant 0 : i32
    %dma_start3A_274 = arith.constant 0 : i32
    %dma_start3A_275 = tpu.memref_slice %dma_start3A_272[%dma_start3A_273, %dma_start3A_274] : memref<100000x32xf32, #tpu.memory_space<hbm>> -> memref<100000x32xf32, #tpu.memory_space<hbm>>
    tpu.enqueue_indirect_dma source(%dma_start3A_275 : memref<100000x32xf32, #tpu.memory_space<hbm>>) target(%dma_start3A_265 : memref<32x32xf32, #tpu.memory_space<vmem>>) offsets(%dma_start3A_268 : memref<32xi32, #tpu.memory_space<vmem>>) semaphore(%arg8 : memref<!tpu.dma_semaphore, #tpu.memory_space<semaphore_mem>>)
    %rem3A_276 = arith.constant 0 : i32
    %rem3A_277 = arith.constant 2 : i32
    %rem3A_278 = arith.remsi %rem3A_276, %rem3A_277 : i32
    %dma_start3A_279 = arith.constant 13 : i32
    %dma_start3A_280 = arith.constant 13 : i32
    %dma_start3A_281 = arith.constant 0 : i32
    %dma_start3A_282 = arith.constant 13 : i32
    %dma_start3A_283 = arith.constant 0 : i32
    %dma_start3A_284 = arith.constant 0 : i32
    %dma_start3A_285 = tpu.memref_slice %arg6[%rem3A_278, %dma_start3A_282, %dma_start3A_283, %dma_start3A_284] : memref<2x26x32x32xf32, #tpu.memory_space<vmem>> -> memref<1x1x32x32xf32, #tpu.memory_space<vmem>>
    %dma_start3A_286 = tpu.memref_squeeze %dma_start3A_285 : memref<1x1x32x32xf32, #tpu.memory_space<vmem>> -> memref<32x32xf32, #tpu.memory_space<vmem>>
    %dma_start3A_287 = arith.constant 0 : i32
    %dma_start3A_288 = tpu.memref_slice %arg5[%dma_start3A_280, %dma_start3A_281, %dma_start3A_287] : memref<26x16x32xi32, #tpu.memory_space<vmem>> -> memref<1x1x32xi32, #tpu.memory_space<vmem>>
    %dma_start3A_289 = tpu.memref_squeeze %dma_start3A_288 : memref<1x1x32xi32, #tpu.memory_space<vmem>> -> memref<32xi32, #tpu.memory_space<vmem>>
    %dma_start3A_290 = arith.constant 0 : i32
    %dma_start3A_291 = arith.constant 0 : i32
    %dma_start3A_292 = tpu.memref_slice %arg2[%dma_start3A_279, %dma_start3A_290, %dma_start3A_291] : memref<26x100000x32xf32, #tpu.memory_space<hbm>> -> memref<1x100000x32xf32, #tpu.memory_space<hbm>>
    %dma_start3A_293 = tpu.memref_squeeze %dma_start3A_292 : memref<1x100000x32xf32, #tpu.memory_space<hbm>> -> memref<100000x32xf32, #tpu.memory_space<hbm>>
    %dma_start3A_294 = arith.constant 0 : i32
    %dma_start3A_295 = arith.constant 0 : i32
    %dma_start3A_296 = tpu.memref_slice %dma_start3A_293[%dma_start3A_294, %dma_start3A_295] : memref<100000x32xf32, #tpu.memory_space<hbm>> -> memref<100000x32xf32, #tpu.memory_space<hbm>>
    tpu.enqueue_indirect_dma source(%dma_start3A_296 : memref<100000x32xf32, #tpu.memory_space<hbm>>) target(%dma_start3A_286 : memref<32x32xf32, #tpu.memory_space<vmem>>) offsets(%dma_start3A_289 : memref<32xi32, #tpu.memory_space<vmem>>) semaphore(%arg8 : memref<!tpu.dma_semaphore, #tpu.memory_space<semaphore_mem>>)
    %rem3A_297 = arith.constant 0 : i32
    %rem3A_298 = arith.constant 2 : i32
    %rem3A_299 = arith.remsi %rem3A_297, %rem3A_298 : i32
    %dma_start3A_300 = arith.constant 14 : i32
    %dma_start3A_301 = arith.constant 14 : i32
    %dma_start3A_302 = arith.constant 0 : i32
    %dma_start3A_303 = arith.constant 14 : i32
    %dma_start3A_304 = arith.constant 0 : i32
    %dma_start3A_305 = arith.constant 0 : i32
    %dma_start3A_306 = tpu.memref_slice %arg6[%rem3A_299, %dma_start3A_303, %dma_start3A_304, %dma_start3A_305] : memref<2x26x32x32xf32, #tpu.memory_space<vmem>> -> memref<1x1x32x32xf32, #tpu.memory_space<vmem>>
    %dma_start3A_307 = tpu.memref_squeeze %dma_start3A_306 : memref<1x1x32x32xf32, #tpu.memory_space<vmem>> -> memref<32x32xf32, #tpu.memory_space<vmem>>
    %dma_start3A_308 = arith.constant 0 : i32
    %dma_start3A_309 = tpu.memref_slice %arg5[%dma_start3A_301, %dma_start3A_302, %dma_start3A_308] : memref<26x16x32xi32, #tpu.memory_space<vmem>> -> memref<1x1x32xi32, #tpu.memory_space<vmem>>
    %dma_start3A_310 = tpu.memref_squeeze %dma_start3A_309 : memref<1x1x32xi32, #tpu.memory_space<vmem>> -> memref<32xi32, #tpu.memory_space<vmem>>
    %dma_start3A_311 = arith.constant 0 : i32
    %dma_start3A_312 = arith.constant 0 : i32
    %dma_start3A_313 = tpu.memref_slice %arg2[%dma_start3A_300, %dma_start3A_311, %dma_start3A_312] : memref<26x100000x32xf32, #tpu.memory_space<hbm>> -> memref<1x100000x32xf32, #tpu.memory_space<hbm>>
    %dma_start3A_314 = tpu.memref_squeeze %dma_start3A_313 : memref<1x100000x32xf32, #tpu.memory_space<hbm>> -> memref<100000x32xf32, #tpu.memory_space<hbm>>
    %dma_start3A_315 = arith.constant 0 : i32
    %dma_start3A_316 = arith.constant 0 : i32
    %dma_start3A_317 = tpu.memref_slice %dma_start3A_314[%dma_start3A_315, %dma_start3A_316] : memref<100000x32xf32, #tpu.memory_space<hbm>> -> memref<100000x32xf32, #tpu.memory_space<hbm>>
    tpu.enqueue_indirect_dma source(%dma_start3A_317 : memref<100000x32xf32, #tpu.memory_space<hbm>>) target(%dma_start3A_307 : memref<32x32xf32, #tpu.memory_space<vmem>>) offsets(%dma_start3A_310 : memref<32xi32, #tpu.memory_space<vmem>>) semaphore(%arg8 : memref<!tpu.dma_semaphore, #tpu.memory_space<semaphore_mem>>)
    %rem3A_318 = arith.constant 0 : i32
    %rem3A_319 = arith.constant 2 : i32
    %rem3A_320 = arith.remsi %rem3A_318, %rem3A_319 : i32
    %dma_start3A_321 = arith.constant 15 : i32
    %dma_start3A_322 = arith.constant 15 : i32
    %dma_start3A_323 = arith.constant 0 : i32
    %dma_start3A_324 = arith.constant 15 : i32
    %dma_start3A_325 = arith.constant 0 : i32
    %dma_start3A_326 = arith.constant 0 : i32
    %dma_start3A_327 = tpu.memref_slice %arg6[%rem3A_320, %dma_start3A_324, %dma_start3A_325, %dma_start3A_326] : memref<2x26x32x32xf32, #tpu.memory_space<vmem>> -> memref<1x1x32x32xf32, #tpu.memory_space<vmem>>
    %dma_start3A_328 = tpu.memref_squeeze %dma_start3A_327 : memref<1x1x32x32xf32, #tpu.memory_space<vmem>> -> memref<32x32xf32, #tpu.memory_space<vmem>>
    %dma_start3A_329 = arith.constant 0 : i32
    %dma_start3A_330 = tpu.memref_slice %arg5[%dma_start3A_322, %dma_start3A_323, %dma_start3A_329] : memref<26x16x32xi32, #tpu.memory_space<vmem>> -> memref<1x1x32xi32, #tpu.memory_space<vmem>>
    %dma_start3A_331 = tpu.memref_squeeze %dma_start3A_330 : memref<1x1x32xi32, #tpu.memory_space<vmem>> -> memref<32xi32, #tpu.memory_space<vmem>>
    %dma_start3A_332 = arith.constant 0 : i32
    %dma_start3A_333 = arith.constant 0 : i32
    %dma_start3A_334 = tpu.memref_slice %arg2[%dma_start3A_321, %dma_start3A_332, %dma_start3A_333] : memref<26x100000x32xf32, #tpu.memory_space<hbm>> -> memref<1x100000x32xf32, #tpu.memory_space<hbm>>
    %dma_start3A_335 = tpu.memref_squeeze %dma_start3A_334 : memref<1x100000x32xf32, #tpu.memory_space<hbm>> -> memref<100000x32xf32, #tpu.memory_space<hbm>>
    %dma_start3A_336 = arith.constant 0 : i32
    %dma_start3A_337 = arith.constant 0 : i32
    %dma_start3A_338 = tpu.memref_slice %dma_start3A_335[%dma_start3A_336, %dma_start3A_337] : memref<100000x32xf32, #tpu.memory_space<hbm>> -> memref<100000x32xf32, #tpu.memory_space<hbm>>
    tpu.enqueue_indirect_dma source(%dma_start3A_338 : memref<100000x32xf32, #tpu.memory_space<hbm>>) target(%dma_start3A_328 : memref<32x32xf32, #tpu.memory_space<vmem>>) offsets(%dma_start3A_331 : memref<32xi32, #tpu.memory_space<vmem>>) semaphore(%arg8 : memref<!tpu.dma_semaphore, #tpu.memory_space<semaphore_mem>>)
    %rem3A_339 = arith.constant 0 : i32
    %rem3A_340 = arith.constant 2 : i32
    %rem3A_341 = arith.remsi %rem3A_339, %rem3A_340 : i32
    %dma_start3A_342 = arith.constant 16 : i32
    %dma_start3A_343 = arith.constant 16 : i32
    %dma_start3A_344 = arith.constant 0 : i32
    %dma_start3A_345 = arith.constant 16 : i32
    %dma_start3A_346 = arith.constant 0 : i32
    %dma_start3A_347 = arith.constant 0 : i32
    %dma_start3A_348 = tpu.memref_slice %arg6[%rem3A_341, %dma_start3A_345, %dma_start3A_346, %dma_start3A_347] : memref<2x26x32x32xf32, #tpu.memory_space<vmem>> -> memref<1x1x32x32xf32, #tpu.memory_space<vmem>>
    %dma_start3A_349 = tpu.memref_squeeze %dma_start3A_348 : memref<1x1x32x32xf32, #tpu.memory_space<vmem>> -> memref<32x32xf32, #tpu.memory_space<vmem>>
    %dma_start3A_350 = arith.constant 0 : i32
    %dma_start3A_351 = tpu.memref_slice %arg5[%dma_start3A_343, %dma_start3A_344, %dma_start3A_350] : memref<26x16x32xi32, #tpu.memory_space<vmem>> -> memref<1x1x32xi32, #tpu.memory_space<vmem>>
    %dma_start3A_352 = tpu.memref_squeeze %dma_start3A_351 : memref<1x1x32xi32, #tpu.memory_space<vmem>> -> memref<32xi32, #tpu.memory_space<vmem>>
    %dma_start3A_353 = arith.constant 0 : i32
    %dma_start3A_354 = arith.constant 0 : i32
    %dma_start3A_355 = tpu.memref_slice %arg2[%dma_start3A_342, %dma_start3A_353, %dma_start3A_354] : memref<26x100000x32xf32, #tpu.memory_space<hbm>> -> memref<1x100000x32xf32, #tpu.memory_space<hbm>>
    %dma_start3A_356 = tpu.memref_squeeze %dma_start3A_355 : memref<1x100000x32xf32, #tpu.memory_space<hbm>> -> memref<100000x32xf32, #tpu.memory_space<hbm>>
    %dma_start3A_357 = arith.constant 0 : i32
    %dma_start3A_358 = arith.constant 0 : i32
    %dma_start3A_359 = tpu.memref_slice %dma_start3A_356[%dma_start3A_357, %dma_start3A_358] : memref<100000x32xf32, #tpu.memory_space<hbm>> -> memref<100000x32xf32, #tpu.memory_space<hbm>>
    tpu.enqueue_indirect_dma source(%dma_start3A_359 : memref<100000x32xf32, #tpu.memory_space<hbm>>) target(%dma_start3A_349 : memref<32x32xf32, #tpu.memory_space<vmem>>) offsets(%dma_start3A_352 : memref<32xi32, #tpu.memory_space<vmem>>) semaphore(%arg8 : memref<!tpu.dma_semaphore, #tpu.memory_space<semaphore_mem>>)
    %rem3A_360 = arith.constant 0 : i32
    %rem3A_361 = arith.constant 2 : i32
    %rem3A_362 = arith.remsi %rem3A_360, %rem3A_361 : i32
    %dma_start3A_363 = arith.constant 17 : i32
    %dma_start3A_364 = arith.constant 17 : i32
    %dma_start3A_365 = arith.constant 0 : i32
    %dma_start3A_366 = arith.constant 17 : i32
    %dma_start3A_367 = arith.constant 0 : i32
    %dma_start3A_368 = arith.constant 0 : i32
    %dma_start3A_369 = tpu.memref_slice %arg6[%rem3A_362, %dma_start3A_366, %dma_start3A_367, %dma_start3A_368] : memref<2x26x32x32xf32, #tpu.memory_space<vmem>> -> memref<1x1x32x32xf32, #tpu.memory_space<vmem>>
    %dma_start3A_370 = tpu.memref_squeeze %dma_start3A_369 : memref<1x1x32x32xf32, #tpu.memory_space<vmem>> -> memref<32x32xf32, #tpu.memory_space<vmem>>
    %dma_start3A_371 = arith.constant 0 : i32
    %dma_start3A_372 = tpu.memref_slice %arg5[%dma_start3A_364, %dma_start3A_365, %dma_start3A_371] : memref<26x16x32xi32, #tpu.memory_space<vmem>> -> memref<1x1x32xi32, #tpu.memory_space<vmem>>
    %dma_start3A_373 = tpu.memref_squeeze %dma_start3A_372 : memref<1x1x32xi32, #tpu.memory_space<vmem>> -> memref<32xi32, #tpu.memory_space<vmem>>
    %dma_start3A_374 = arith.constant 0 : i32
    %dma_start3A_375 = arith.constant 0 : i32
    %dma_start3A_376 = tpu.memref_slice %arg2[%dma_start3A_363, %dma_start3A_374, %dma_start3A_375] : memref<26x100000x32xf32, #tpu.memory_space<hbm>> -> memref<1x100000x32xf32, #tpu.memory_space<hbm>>
    %dma_start3A_377 = tpu.memref_squeeze %dma_start3A_376 : memref<1x100000x32xf32, #tpu.memory_space<hbm>> -> memref<100000x32xf32, #tpu.memory_space<hbm>>
    %dma_start3A_378 = arith.constant 0 : i32
    %dma_start3A_379 = arith.constant 0 : i32
    %dma_start3A_380 = tpu.memref_slice %dma_start3A_377[%dma_start3A_378, %dma_start3A_379] : memref<100000x32xf32, #tpu.memory_space<hbm>> -> memref<100000x32xf32, #tpu.memory_space<hbm>>
    tpu.enqueue_indirect_dma source(%dma_start3A_380 : memref<100000x32xf32, #tpu.memory_space<hbm>>) target(%dma_start3A_370 : memref<32x32xf32, #tpu.memory_space<vmem>>) offsets(%dma_start3A_373 : memref<32xi32, #tpu.memory_space<vmem>>) semaphore(%arg8 : memref<!tpu.dma_semaphore, #tpu.memory_space<semaphore_mem>>)
    %rem3A_381 = arith.constant 0 : i32
    %rem3A_382 = arith.constant 2 : i32
    %rem3A_383 = arith.remsi %rem3A_381, %rem3A_382 : i32
    %dma_start3A_384 = arith.constant 18 : i32
    %dma_start3A_385 = arith.constant 18 : i32
    %dma_start3A_386 = arith.constant 0 : i32
    %dma_start3A_387 = arith.constant 18 : i32
    %dma_start3A_388 = arith.constant 0 : i32
    %dma_start3A_389 = arith.constant 0 : i32
    %dma_start3A_390 = tpu.memref_slice %arg6[%rem3A_383, %dma_start3A_387, %dma_start3A_388, %dma_start3A_389] : memref<2x26x32x32xf32, #tpu.memory_space<vmem>> -> memref<1x1x32x32xf32, #tpu.memory_space<vmem>>
    %dma_start3A_391 = tpu.memref_squeeze %dma_start3A_390 : memref<1x1x32x32xf32, #tpu.memory_space<vmem>> -> memref<32x32xf32, #tpu.memory_space<vmem>>
    %dma_start3A_392 = arith.constant 0 : i32
    %dma_start3A_393 = tpu.memref_slice %arg5[%dma_start3A_385, %dma_start3A_386, %dma_start3A_392] : memref<26x16x32xi32, #tpu.memory_space<vmem>> -> memref<1x1x32xi32, #tpu.memory_space<vmem>>
    %dma_start3A_394 = tpu.memref_squeeze %dma_start3A_393 : memref<1x1x32xi32, #tpu.memory_space<vmem>> -> memref<32xi32, #tpu.memory_space<vmem>>
    %dma_start3A_395 = arith.constant 0 : i32
    %dma_start3A_396 = arith.constant 0 : i32
    %dma_start3A_397 = tpu.memref_slice %arg2[%dma_start3A_384, %dma_start3A_395, %dma_start3A_396] : memref<26x100000x32xf32, #tpu.memory_space<hbm>> -> memref<1x100000x32xf32, #tpu.memory_space<hbm>>
    %dma_start3A_398 = tpu.memref_squeeze %dma_start3A_397 : memref<1x100000x32xf32, #tpu.memory_space<hbm>> -> memref<100000x32xf32, #tpu.memory_space<hbm>>
    %dma_start3A_399 = arith.constant 0 : i32
    %dma_start3A_400 = arith.constant 0 : i32
    %dma_start3A_401 = tpu.memref_slice %dma_start3A_398[%dma_start3A_399, %dma_start3A_400] : memref<100000x32xf32, #tpu.memory_space<hbm>> -> memref<100000x32xf32, #tpu.memory_space<hbm>>
    tpu.enqueue_indirect_dma source(%dma_start3A_401 : memref<100000x32xf32, #tpu.memory_space<hbm>>) target(%dma_start3A_391 : memref<32x32xf32, #tpu.memory_space<vmem>>) offsets(%dma_start3A_394 : memref<32xi32, #tpu.memory_space<vmem>>) semaphore(%arg8 : memref<!tpu.dma_semaphore, #tpu.memory_space<semaphore_mem>>)
    %rem3A_402 = arith.constant 0 : i32
    %rem3A_403 = arith.constant 2 : i32
    %rem3A_404 = arith.remsi %rem3A_402, %rem3A_403 : i32
    %dma_start3A_405 = arith.constant 19 : i32
    %dma_start3A_406 = arith.constant 19 : i32
    %dma_start3A_407 = arith.constant 0 : i32
    %dma_start3A_408 = arith.constant 19 : i32
    %dma_start3A_409 = arith.constant 0 : i32
    %dma_start3A_410 = arith.constant 0 : i32
    %dma_start3A_411 = tpu.memref_slice %arg6[%rem3A_404, %dma_start3A_408, %dma_start3A_409, %dma_start3A_410] : memref<2x26x32x32xf32, #tpu.memory_space<vmem>> -> memref<1x1x32x32xf32, #tpu.memory_space<vmem>>
    %dma_start3A_412 = tpu.memref_squeeze %dma_start3A_411 : memref<1x1x32x32xf32, #tpu.memory_space<vmem>> -> memref<32x32xf32, #tpu.memory_space<vmem>>
    %dma_start3A_413 = arith.constant 0 : i32
    %dma_start3A_414 = tpu.memref_slice %arg5[%dma_start3A_406, %dma_start3A_407, %dma_start3A_413] : memref<26x16x32xi32, #tpu.memory_space<vmem>> -> memref<1x1x32xi32, #tpu.memory_space<vmem>>
    %dma_start3A_415 = tpu.memref_squeeze %dma_start3A_414 : memref<1x1x32xi32, #tpu.memory_space<vmem>> -> memref<32xi32, #tpu.memory_space<vmem>>
    %dma_start3A_416 = arith.constant 0 : i32
    %dma_start3A_417 = arith.constant 0 : i32
    %dma_start3A_418 = tpu.memref_slice %arg2[%dma_start3A_405, %dma_start3A_416, %dma_start3A_417] : memref<26x100000x32xf32, #tpu.memory_space<hbm>> -> memref<1x100000x32xf32, #tpu.memory_space<hbm>>
    %dma_start3A_419 = tpu.memref_squeeze %dma_start3A_418 : memref<1x100000x32xf32, #tpu.memory_space<hbm>> -> memref<100000x32xf32, #tpu.memory_space<hbm>>
    %dma_start3A_420 = arith.constant 0 : i32
    %dma_start3A_421 = arith.constant 0 : i32
    %dma_start3A_422 = tpu.memref_slice %dma_start3A_419[%dma_start3A_420, %dma_start3A_421] : memref<100000x32xf32, #tpu.memory_space<hbm>> -> memref<100000x32xf32, #tpu.memory_space<hbm>>
    tpu.enqueue_indirect_dma source(%dma_start3A_422 : memref<100000x32xf32, #tpu.memory_space<hbm>>) target(%dma_start3A_412 : memref<32x32xf32, #tpu.memory_space<vmem>>) offsets(%dma_start3A_415 : memref<32xi32, #tpu.memory_space<vmem>>) semaphore(%arg8 : memref<!tpu.dma_semaphore, #tpu.memory_space<semaphore_mem>>)
    %rem3A_423 = arith.constant 0 : i32
    %rem3A_424 = arith.constant 2 : i32
    %rem3A_425 = arith.remsi %rem3A_423, %rem3A_424 : i32
    %dma_start3A_426 = arith.constant 20 : i32
    %dma_start3A_427 = arith.constant 20 : i32
    %dma_start3A_428 = arith.constant 0 : i32
    %dma_start3A_429 = arith.constant 20 : i32
    %dma_start3A_430 = arith.constant 0 : i32
    %dma_start3A_431 = arith.constant 0 : i32
    %dma_start3A_432 = tpu.memref_slice %arg6[%rem3A_425, %dma_start3A_429, %dma_start3A_430, %dma_start3A_431] : memref<2x26x32x32xf32, #tpu.memory_space<vmem>> -> memref<1x1x32x32xf32, #tpu.memory_space<vmem>>
    %dma_start3A_433 = tpu.memref_squeeze %dma_start3A_432 : memref<1x1x32x32xf32, #tpu.memory_space<vmem>> -> memref<32x32xf32, #tpu.memory_space<vmem>>
    %dma_start3A_434 = arith.constant 0 : i32
    %dma_start3A_435 = tpu.memref_slice %arg5[%dma_start3A_427, %dma_start3A_428, %dma_start3A_434] : memref<26x16x32xi32, #tpu.memory_space<vmem>> -> memref<1x1x32xi32, #tpu.memory_space<vmem>>
    %dma_start3A_436 = tpu.memref_squeeze %dma_start3A_435 : memref<1x1x32xi32, #tpu.memory_space<vmem>> -> memref<32xi32, #tpu.memory_space<vmem>>
    %dma_start3A_437 = arith.constant 0 : i32
    %dma_start3A_438 = arith.constant 0 : i32
    %dma_start3A_439 = tpu.memref_slice %arg2[%dma_start3A_426, %dma_start3A_437, %dma_start3A_438] : memref<26x100000x32xf32, #tpu.memory_space<hbm>> -> memref<1x100000x32xf32, #tpu.memory_space<hbm>>
    %dma_start3A_440 = tpu.memref_squeeze %dma_start3A_439 : memref<1x100000x32xf32, #tpu.memory_space<hbm>> -> memref<100000x32xf32, #tpu.memory_space<hbm>>
    %dma_start3A_441 = arith.constant 0 : i32
    %dma_start3A_442 = arith.constant 0 : i32
    %dma_start3A_443 = tpu.memref_slice %dma_start3A_440[%dma_start3A_441, %dma_start3A_442] : memref<100000x32xf32, #tpu.memory_space<hbm>> -> memref<100000x32xf32, #tpu.memory_space<hbm>>
    tpu.enqueue_indirect_dma source(%dma_start3A_443 : memref<100000x32xf32, #tpu.memory_space<hbm>>) target(%dma_start3A_433 : memref<32x32xf32, #tpu.memory_space<vmem>>) offsets(%dma_start3A_436 : memref<32xi32, #tpu.memory_space<vmem>>) semaphore(%arg8 : memref<!tpu.dma_semaphore, #tpu.memory_space<semaphore_mem>>)
    %rem3A_444 = arith.constant 0 : i32
    %rem3A_445 = arith.constant 2 : i32
    %rem3A_446 = arith.remsi %rem3A_444, %rem3A_445 : i32
    %dma_start3A_447 = arith.constant 21 : i32
    %dma_start3A_448 = arith.constant 21 : i32
    %dma_start3A_449 = arith.constant 0 : i32
    %dma_start3A_450 = arith.constant 21 : i32
    %dma_start3A_451 = arith.constant 0 : i32
    %dma_start3A_452 = arith.constant 0 : i32
    %dma_start3A_453 = tpu.memref_slice %arg6[%rem3A_446, %dma_start3A_450, %dma_start3A_451, %dma_start3A_452] : memref<2x26x32x32xf32, #tpu.memory_space<vmem>> -> memref<1x1x32x32xf32, #tpu.memory_space<vmem>>
    %dma_start3A_454 = tpu.memref_squeeze %dma_start3A_453 : memref<1x1x32x32xf32, #tpu.memory_space<vmem>> -> memref<32x32xf32, #tpu.memory_space<vmem>>
    %dma_start3A_455 = arith.constant 0 : i32
    %dma_start3A_456 = tpu.memref_slice %arg5[%dma_start3A_448, %dma_start3A_449, %dma_start3A_455] : memref<26x16x32xi32, #tpu.memory_space<vmem>> -> memref<1x1x32xi32, #tpu.memory_space<vmem>>
    %dma_start3A_457 = tpu.memref_squeeze %dma_start3A_456 : memref<1x1x32xi32, #tpu.memory_space<vmem>> -> memref<32xi32, #tpu.memory_space<vmem>>
    %dma_start3A_458 = arith.constant 0 : i32
    %dma_start3A_459 = arith.constant 0 : i32
    %dma_start3A_460 = tpu.memref_slice %arg2[%dma_start3A_447, %dma_start3A_458, %dma_start3A_459] : memref<26x100000x32xf32, #tpu.memory_space<hbm>> -> memref<1x100000x32xf32, #tpu.memory_space<hbm>>
    %dma_start3A_461 = tpu.memref_squeeze %dma_start3A_460 : memref<1x100000x32xf32, #tpu.memory_space<hbm>> -> memref<100000x32xf32, #tpu.memory_space<hbm>>
    %dma_start3A_462 = arith.constant 0 : i32
    %dma_start3A_463 = arith.constant 0 : i32
    %dma_start3A_464 = tpu.memref_slice %dma_start3A_461[%dma_start3A_462, %dma_start3A_463] : memref<100000x32xf32, #tpu.memory_space<hbm>> -> memref<100000x32xf32, #tpu.memory_space<hbm>>
    tpu.enqueue_indirect_dma source(%dma_start3A_464 : memref<100000x32xf32, #tpu.memory_space<hbm>>) target(%dma_start3A_454 : memref<32x32xf32, #tpu.memory_space<vmem>>) offsets(%dma_start3A_457 : memref<32xi32, #tpu.memory_space<vmem>>) semaphore(%arg8 : memref<!tpu.dma_semaphore, #tpu.memory_space<semaphore_mem>>)
    %rem3A_465 = arith.constant 0 : i32
    %rem3A_466 = arith.constant 2 : i32
    %rem3A_467 = arith.remsi %rem3A_465, %rem3A_466 : i32
    %dma_start3A_468 = arith.constant 22 : i32
    %dma_start3A_469 = arith.constant 22 : i32
    %dma_start3A_470 = arith.constant 0 : i32
    %dma_start3A_471 = arith.constant 22 : i32
    %dma_start3A_472 = arith.constant 0 : i32
    %dma_start3A_473 = arith.constant 0 : i32
    %dma_start3A_474 = tpu.memref_slice %arg6[%rem3A_467, %dma_start3A_471, %dma_start3A_472, %dma_start3A_473] : memref<2x26x32x32xf32, #tpu.memory_space<vmem>> -> memref<1x1x32x32xf32, #tpu.memory_space<vmem>>
    %dma_start3A_475 = tpu.memref_squeeze %dma_start3A_474 : memref<1x1x32x32xf32, #tpu.memory_space<vmem>> -> memref<32x32xf32, #tpu.memory_space<vmem>>
    %dma_start3A_476 = arith.constant 0 : i32
    %dma_start3A_477 = tpu.memref_slice %arg5[%dma_start3A_469, %dma_start3A_470, %dma_start3A_476] : memref<26x16x32xi32, #tpu.memory_space<vmem>> -> memref<1x1x32xi32, #tpu.memory_space<vmem>>
    %dma_start3A_478 = tpu.memref_squeeze %dma_start3A_477 : memref<1x1x32xi32, #tpu.memory_space<vmem>> -> memref<32xi32, #tpu.memory_space<vmem>>
    %dma_start3A_479 = arith.constant 0 : i32
    %dma_start3A_480 = arith.constant 0 : i32
    %dma_start3A_481 = tpu.memref_slice %arg2[%dma_start3A_468, %dma_start3A_479, %dma_start3A_480] : memref<26x100000x32xf32, #tpu.memory_space<hbm>> -> memref<1x100000x32xf32, #tpu.memory_space<hbm>>
    %dma_start3A_482 = tpu.memref_squeeze %dma_start3A_481 : memref<1x100000x32xf32, #tpu.memory_space<hbm>> -> memref<100000x32xf32, #tpu.memory_space<hbm>>
    %dma_start3A_483 = arith.constant 0 : i32
    %dma_start3A_484 = arith.constant 0 : i32
    %dma_start3A_485 = tpu.memref_slice %dma_start3A_482[%dma_start3A_483, %dma_start3A_484] : memref<100000x32xf32, #tpu.memory_space<hbm>> -> memref<100000x32xf32, #tpu.memory_space<hbm>>
    tpu.enqueue_indirect_dma source(%dma_start3A_485 : memref<100000x32xf32, #tpu.memory_space<hbm>>) target(%dma_start3A_475 : memref<32x32xf32, #tpu.memory_space<vmem>>) offsets(%dma_start3A_478 : memref<32xi32, #tpu.memory_space<vmem>>) semaphore(%arg8 : memref<!tpu.dma_semaphore, #tpu.memory_space<semaphore_mem>>)
    %rem3A_486 = arith.constant 0 : i32
    %rem3A_487 = arith.constant 2 : i32
    %rem3A_488 = arith.remsi %rem3A_486, %rem3A_487 : i32
    %dma_start3A_489 = arith.constant 23 : i32
    %dma_start3A_490 = arith.constant 23 : i32
    %dma_start3A_491 = arith.constant 0 : i32
    %dma_start3A_492 = arith.constant 23 : i32
    %dma_start3A_493 = arith.constant 0 : i32
    %dma_start3A_494 = arith.constant 0 : i32
    %dma_start3A_495 = tpu.memref_slice %arg6[%rem3A_488, %dma_start3A_492, %dma_start3A_493, %dma_start3A_494] : memref<2x26x32x32xf32, #tpu.memory_space<vmem>> -> memref<1x1x32x32xf32, #tpu.memory_space<vmem>>
    %dma_start3A_496 = tpu.memref_squeeze %dma_start3A_495 : memref<1x1x32x32xf32, #tpu.memory_space<vmem>> -> memref<32x32xf32, #tpu.memory_space<vmem>>
    %dma_start3A_497 = arith.constant 0 : i32
    %dma_start3A_498 = tpu.memref_slice %arg5[%dma_start3A_490, %dma_start3A_491, %dma_start3A_497] : memref<26x16x32xi32, #tpu.memory_space<vmem>> -> memref<1x1x32xi32, #tpu.memory_space<vmem>>
    %dma_start3A_499 = tpu.memref_squeeze %dma_start3A_498 : memref<1x1x32xi32, #tpu.memory_space<vmem>> -> memref<32xi32, #tpu.memory_space<vmem>>
    %dma_start3A_500 = arith.constant 0 : i32
    %dma_start3A_501 = arith.constant 0 : i32
    %dma_start3A_502 = tpu.memref_slice %arg2[%dma_start3A_489, %dma_start3A_500, %dma_start3A_501] : memref<26x100000x32xf32, #tpu.memory_space<hbm>> -> memref<1x100000x32xf32, #tpu.memory_space<hbm>>
    %dma_start3A_503 = tpu.memref_squeeze %dma_start3A_502 : memref<1x100000x32xf32, #tpu.memory_space<hbm>> -> memref<100000x32xf32, #tpu.memory_space<hbm>>
    %dma_start3A_504 = arith.constant 0 : i32
    %dma_start3A_505 = arith.constant 0 : i32
    %dma_start3A_506 = tpu.memref_slice %dma_start3A_503[%dma_start3A_504, %dma_start3A_505] : memref<100000x32xf32, #tpu.memory_space<hbm>> -> memref<100000x32xf32, #tpu.memory_space<hbm>>
    tpu.enqueue_indirect_dma source(%dma_start3A_506 : memref<100000x32xf32, #tpu.memory_space<hbm>>) target(%dma_start3A_496 : memref<32x32xf32, #tpu.memory_space<vmem>>) offsets(%dma_start3A_499 : memref<32xi32, #tpu.memory_space<vmem>>) semaphore(%arg8 : memref<!tpu.dma_semaphore, #tpu.memory_space<semaphore_mem>>)
    %rem3A_507 = arith.constant 0 : i32
    %rem3A_508 = arith.constant 2 : i32
    %rem3A_509 = arith.remsi %rem3A_507, %rem3A_508 : i32
    %dma_start3A_510 = arith.constant 24 : i32
    %dma_start3A_511 = arith.constant 24 : i32
    %dma_start3A_512 = arith.constant 0 : i32
    %dma_start3A_513 = arith.constant 24 : i32
    %dma_start3A_514 = arith.constant 0 : i32
    %dma_start3A_515 = arith.constant 0 : i32
    %dma_start3A_516 = tpu.memref_slice %arg6[%rem3A_509, %dma_start3A_513, %dma_start3A_514, %dma_start3A_515] : memref<2x26x32x32xf32, #tpu.memory_space<vmem>> -> memref<1x1x32x32xf32, #tpu.memory_space<vmem>>
    %dma_start3A_517 = tpu.memref_squeeze %dma_start3A_516 : memref<1x1x32x32xf32, #tpu.memory_space<vmem>> -> memref<32x32xf32, #tpu.memory_space<vmem>>
    %dma_start3A_518 = arith.constant 0 : i32
    %dma_start3A_519 = tpu.memref_slice %arg5[%dma_start3A_511, %dma_start3A_512, %dma_start3A_518] : memref<26x16x32xi32, #tpu.memory_space<vmem>> -> memref<1x1x32xi32, #tpu.memory_space<vmem>>
    %dma_start3A_520 = tpu.memref_squeeze %dma_start3A_519 : memref<1x1x32xi32, #tpu.memory_space<vmem>> -> memref<32xi32, #tpu.memory_space<vmem>>
    %dma_start3A_521 = arith.constant 0 : i32
    %dma_start3A_522 = arith.constant 0 : i32
    %dma_start3A_523 = tpu.memref_slice %arg2[%dma_start3A_510, %dma_start3A_521, %dma_start3A_522] : memref<26x100000x32xf32, #tpu.memory_space<hbm>> -> memref<1x100000x32xf32, #tpu.memory_space<hbm>>
    %dma_start3A_524 = tpu.memref_squeeze %dma_start3A_523 : memref<1x100000x32xf32, #tpu.memory_space<hbm>> -> memref<100000x32xf32, #tpu.memory_space<hbm>>
    %dma_start3A_525 = arith.constant 0 : i32
    %dma_start3A_526 = arith.constant 0 : i32
    %dma_start3A_527 = tpu.memref_slice %dma_start3A_524[%dma_start3A_525, %dma_start3A_526] : memref<100000x32xf32, #tpu.memory_space<hbm>> -> memref<100000x32xf32, #tpu.memory_space<hbm>>
    tpu.enqueue_indirect_dma source(%dma_start3A_527 : memref<100000x32xf32, #tpu.memory_space<hbm>>) target(%dma_start3A_517 : memref<32x32xf32, #tpu.memory_space<vmem>>) offsets(%dma_start3A_520 : memref<32xi32, #tpu.memory_space<vmem>>) semaphore(%arg8 : memref<!tpu.dma_semaphore, #tpu.memory_space<semaphore_mem>>)
    %rem3A_528 = arith.constant 0 : i32
    %rem3A_529 = arith.constant 2 : i32
    %rem3A_530 = arith.remsi %rem3A_528, %rem3A_529 : i32
    %dma_start3A_531 = arith.constant 25 : i32
    %dma_start3A_532 = arith.constant 25 : i32
    %dma_start3A_533 = arith.constant 0 : i32
    %dma_start3A_534 = arith.constant 25 : i32
    %dma_start3A_535 = arith.constant 0 : i32
    %dma_start3A_536 = arith.constant 0 : i32
    %dma_start3A_537 = tpu.memref_slice %arg6[%rem3A_530, %dma_start3A_534, %dma_start3A_535, %dma_start3A_536] : memref<2x26x32x32xf32, #tpu.memory_space<vmem>> -> memref<1x1x32x32xf32, #tpu.memory_space<vmem>>
    %dma_start3A_538 = tpu.memref_squeeze %dma_start3A_537 : memref<1x1x32x32xf32, #tpu.memory_space<vmem>> -> memref<32x32xf32, #tpu.memory_space<vmem>>
    %dma_start3A_539 = arith.constant 0 : i32
    %dma_start3A_540 = tpu.memref_slice %arg5[%dma_start3A_532, %dma_start3A_533, %dma_start3A_539] : memref<26x16x32xi32, #tpu.memory_space<vmem>> -> memref<1x1x32xi32, #tpu.memory_space<vmem>>
    %dma_start3A_541 = tpu.memref_squeeze %dma_start3A_540 : memref<1x1x32xi32, #tpu.memory_space<vmem>> -> memref<32xi32, #tpu.memory_space<vmem>>
    %dma_start3A_542 = arith.constant 0 : i32
    %dma_start3A_543 = arith.constant 0 : i32
    %dma_start3A_544 = tpu.memref_slice %arg2[%dma_start3A_531, %dma_start3A_542, %dma_start3A_543] : memref<26x100000x32xf32, #tpu.memory_space<hbm>> -> memref<1x100000x32xf32, #tpu.memory_space<hbm>>
    %dma_start3A_545 = tpu.memref_squeeze %dma_start3A_544 : memref<1x100000x32xf32, #tpu.memory_space<hbm>> -> memref<100000x32xf32, #tpu.memory_space<hbm>>
    %dma_start3A_546 = arith.constant 0 : i32
    %dma_start3A_547 = arith.constant 0 : i32
    %dma_start3A_548 = tpu.memref_slice %dma_start3A_545[%dma_start3A_546, %dma_start3A_547] : memref<100000x32xf32, #tpu.memory_space<hbm>> -> memref<100000x32xf32, #tpu.memory_space<hbm>>
    tpu.enqueue_indirect_dma source(%dma_start3A_548 : memref<100000x32xf32, #tpu.memory_space<hbm>>) target(%dma_start3A_538 : memref<32x32xf32, #tpu.memory_space<vmem>>) offsets(%dma_start3A_541 : memref<32xi32, #tpu.memory_space<vmem>>) semaphore(%arg8 : memref<!tpu.dma_semaphore, #tpu.memory_space<semaphore_mem>>)
    %scan3A = arith.constant 0 : i32
    %scan3A_549 = arith.constant 0 : i32
    %scan3A_550 = arith.constant 16 : i32
    %scan3A_551 = arith.addi %scan3A_549, %scan3A_550 : i32
    %scan3A_552 = arith.constant 1 : i32
    scf.for %scan3A_554 = %scan3A_549 to %scan3A_551 step %scan3A_552  : i32 {
      %rem3A_555 = arith.constant 2 : i32
      %rem3A_556 = arith.remsi %scan3A_554, %rem3A_555 : i32
      %dma_wait3A = arith.constant 0 : i32
      %dma_wait3A_557 = arith.constant 0 : i32
      %dma_wait3A_558 = arith.constant 0 : i32
      %dma_wait3A_559 = tpu.memref_slice %arg6[%rem3A_556, %dma_wait3A, %dma_wait3A_557, %dma_wait3A_558] : memref<2x26x32x32xf32, #tpu.memory_space<vmem>> -> memref<1x26x32x32xf32, #tpu.memory_space<vmem>>
      %dma_wait3A_560 = tpu.memref_squeeze %dma_wait3A_559 : memref<1x26x32x32xf32, #tpu.memory_space<vmem>> -> memref<26x32x32xf32, #tpu.memory_space<vmem>>
      %dma_wait3A_561 = arith.constant 0 : i32
      %dma_wait3A_562 = arith.constant 0 : i32
      %dma_wait3A_563 = arith.constant 0 : i32
      %dma_wait3A_564 = tpu.memref_slice %arg2[%dma_wait3A_561, %dma_wait3A_562, %dma_wait3A_563] : memref<26x100000x32xf32, #tpu.memory_space<hbm>> -> memref<26x32x32xf32, #tpu.memory_space<hbm>>
      %dma_wait3A_565 = arith.constant 0 : i32
      %dma_wait3A_566 = arith.constant 0 : i32
      %dma_wait3A_567 = arith.constant 0 : i32
      %dma_wait3A_568 = tpu.memref_slice %arg6[%rem3A_556, %dma_wait3A_565, %dma_wait3A_566, %dma_wait3A_567] : memref<2x26x32x32xf32, #tpu.memory_space<vmem>> -> memref<1x26x32x32xf32, #tpu.memory_space<vmem>>
      %dma_wait3A_569 = tpu.memref_squeeze %dma_wait3A_568 : memref<1x26x32x32xf32, #tpu.memory_space<vmem>> -> memref<26x32x32xf32, #tpu.memory_space<vmem>>
      %dma_wait3A_570 = arith.constant 0 : i32
      %dma_wait3A_571 = arith.constant 0 : i32
      %dma_wait3A_572 = arith.constant 0 : i32
      %dma_wait3A_573 = tpu.memref_slice %arg2[%dma_wait3A_570, %dma_wait3A_571, %dma_wait3A_572] : memref<26x100000x32xf32, #tpu.memory_space<hbm>> -> memref<26x32x32xf32, #tpu.memory_space<hbm>>
      tpu.wait_dma2 semaphore(%arg8 : memref<!tpu.dma_semaphore, #tpu.memory_space<semaphore_mem>>) src(%dma_wait3A_573 : memref<26x32x32xf32, #tpu.memory_space<hbm>>) dst(%dma_wait3A_569 : memref<26x32x32xf32, #tpu.memory_space<vmem>>)
      %add3A_574 = arith.constant 1 : i32
      %add3A_575 = arith.addi %scan3A_554, %add3A_574 : i32
      %lt3A = arith.constant 16 : i32
      %lt3A_576 = arith.cmpi slt, %add3A_575, %lt3A : i32
      %convert_element_type3A = arith.extui %lt3A_576 : i1 to i32
      %cond3A = arith.constant 0 : i32
      %cond3A_577 = arith.cmpi ne, %convert_element_type3A, %cond3A : i32
      scf.if %cond3A_577 {
        %add3A_584 = arith.constant 1 : i32
        %add3A_585 = arith.addi %scan3A_554, %add3A_584 : i32
        %rem3A_586 = arith.constant 2 : i32
        %rem3A_587 = arith.remsi %add3A_585, %rem3A_586 : i32
        %dma_start3A_588 = arith.constant 0 : i32
        %dma_start3A_589 = arith.constant 0 : i32
        %dma_start3A_590 = arith.constant 0 : i32
        %dma_start3A_591 = arith.constant 0 : i32
        %dma_start3A_592 = arith.constant 0 : i32
        %dma_start3A_593 = tpu.memref_slice %arg6[%rem3A_587, %dma_start3A_590, %dma_start3A_591, %dma_start3A_592] : memref<2x26x32x32xf32, #tpu.memory_space<vmem>> -> memref<1x1x32x32xf32, #tpu.memory_space<vmem>>
        %dma_start3A_594 = tpu.memref_squeeze %dma_start3A_593 : memref<1x1x32x32xf32, #tpu.memory_space<vmem>> -> memref<32x32xf32, #tpu.memory_space<vmem>>
        %dma_start3A_595 = arith.constant 0 : i32
        %dma_start3A_596 = tpu.memref_slice %arg5[%dma_start3A_589, %add3A_585, %dma_start3A_595] : memref<26x16x32xi32, #tpu.memory_space<vmem>> -> memref<1x1x32xi32, #tpu.memory_space<vmem>>
        %dma_start3A_597 = tpu.memref_squeeze %dma_start3A_596 : memref<1x1x32xi32, #tpu.memory_space<vmem>> -> memref<32xi32, #tpu.memory_space<vmem>>
        %dma_start3A_598 = arith.constant 0 : i32
        %dma_start3A_599 = arith.constant 0 : i32
        %dma_start3A_600 = tpu.memref_slice %arg2[%dma_start3A_588, %dma_start3A_598, %dma_start3A_599] : memref<26x100000x32xf32, #tpu.memory_space<hbm>> -> memref<1x100000x32xf32, #tpu.memory_space<hbm>>
        %dma_start3A_601 = tpu.memref_squeeze %dma_start3A_600 : memref<1x100000x32xf32, #tpu.memory_space<hbm>> -> memref<100000x32xf32, #tpu.memory_space<hbm>>
        %dma_start3A_602 = arith.constant 0 : i32
        %dma_start3A_603 = arith.constant 0 : i32
        %dma_start3A_604 = tpu.memref_slice %dma_start3A_601[%dma_start3A_602, %dma_start3A_603] : memref<100000x32xf32, #tpu.memory_space<hbm>> -> memref<100000x32xf32, #tpu.memory_space<hbm>>
        tpu.enqueue_indirect_dma source(%dma_start3A_604 : memref<100000x32xf32, #tpu.memory_space<hbm>>) target(%dma_start3A_594 : memref<32x32xf32, #tpu.memory_space<vmem>>) offsets(%dma_start3A_597 : memref<32xi32, #tpu.memory_space<vmem>>) semaphore(%arg8 : memref<!tpu.dma_semaphore, #tpu.memory_space<semaphore_mem>>)
        %rem3A_605 = arith.constant 2 : i32
        %rem3A_606 = arith.remsi %add3A_585, %rem3A_605 : i32
        %dma_start3A_607 = arith.constant 1 : i32
        %dma_start3A_608 = arith.constant 1 : i32
        %dma_start3A_609 = arith.constant 1 : i32
        %dma_start3A_610 = arith.constant 0 : i32
        %dma_start3A_611 = arith.constant 0 : i32
        %dma_start3A_612 = tpu.memref_slice %arg6[%rem3A_606, %dma_start3A_609, %dma_start3A_610, %dma_start3A_611] : memref<2x26x32x32xf32, #tpu.memory_space<vmem>> -> memref<1x1x32x32xf32, #tpu.memory_space<vmem>>
        %dma_start3A_613 = tpu.memref_squeeze %dma_start3A_612 : memref<1x1x32x32xf32, #tpu.memory_space<vmem>> -> memref<32x32xf32, #tpu.memory_space<vmem>>
        %dma_start3A_614 = arith.constant 0 : i32
        %dma_start3A_615 = tpu.memref_slice %arg5[%dma_start3A_608, %add3A_585, %dma_start3A_614] : memref<26x16x32xi32, #tpu.memory_space<vmem>> -> memref<1x1x32xi32, #tpu.memory_space<vmem>>
        %dma_start3A_616 = tpu.memref_squeeze %dma_start3A_615 : memref<1x1x32xi32, #tpu.memory_space<vmem>> -> memref<32xi32, #tpu.memory_space<vmem>>
        %dma_start3A_617 = arith.constant 0 : i32
        %dma_start3A_618 = arith.constant 0 : i32
        %dma_start3A_619 = tpu.memref_slice %arg2[%dma_start3A_607, %dma_start3A_617, %dma_start3A_618] : memref<26x100000x32xf32, #tpu.memory_space<hbm>> -> memref<1x100000x32xf32, #tpu.memory_space<hbm>>
        %dma_start3A_620 = tpu.memref_squeeze %dma_start3A_619 : memref<1x100000x32xf32, #tpu.memory_space<hbm>> -> memref<100000x32xf32, #tpu.memory_space<hbm>>
        %dma_start3A_621 = arith.constant 0 : i32
        %dma_start3A_622 = arith.constant 0 : i32
        %dma_start3A_623 = tpu.memref_slice %dma_start3A_620[%dma_start3A_621, %dma_start3A_622] : memref<100000x32xf32, #tpu.memory_space<hbm>> -> memref<100000x32xf32, #tpu.memory_space<hbm>>
        tpu.enqueue_indirect_dma source(%dma_start3A_623 : memref<100000x32xf32, #tpu.memory_space<hbm>>) target(%dma_start3A_613 : memref<32x32xf32, #tpu.memory_space<vmem>>) offsets(%dma_start3A_616 : memref<32xi32, #tpu.memory_space<vmem>>) semaphore(%arg8 : memref<!tpu.dma_semaphore, #tpu.memory_space<semaphore_mem>>)
        %rem3A_624 = arith.constant 2 : i32
        %rem3A_625 = arith.remsi %add3A_585, %rem3A_624 : i32
        %dma_start3A_626 = arith.constant 2 : i32
        %dma_start3A_627 = arith.constant 2 : i32
        %dma_start3A_628 = arith.constant 2 : i32
        %dma_start3A_629 = arith.constant 0 : i32
        %dma_start3A_630 = arith.constant 0 : i32
        %dma_start3A_631 = tpu.memref_slice %arg6[%rem3A_625, %dma_start3A_628, %dma_start3A_629, %dma_start3A_630] : memref<2x26x32x32xf32, #tpu.memory_space<vmem>> -> memref<1x1x32x32xf32, #tpu.memory_space<vmem>>
        %dma_start3A_632 = tpu.memref_squeeze %dma_start3A_631 : memref<1x1x32x32xf32, #tpu.memory_space<vmem>> -> memref<32x32xf32, #tpu.memory_space<vmem>>
        %dma_start3A_633 = arith.constant 0 : i32
        %dma_start3A_634 = tpu.memref_slice %arg5[%dma_start3A_627, %add3A_585, %dma_start3A_633] : memref<26x16x32xi32, #tpu.memory_space<vmem>> -> memref<1x1x32xi32, #tpu.memory_space<vmem>>
        %dma_start3A_635 = tpu.memref_squeeze %dma_start3A_634 : memref<1x1x32xi32, #tpu.memory_space<vmem>> -> memref<32xi32, #tpu.memory_space<vmem>>
        %dma_start3A_636 = arith.constant 0 : i32
        %dma_start3A_637 = arith.constant 0 : i32
        %dma_start3A_638 = tpu.memref_slice %arg2[%dma_start3A_626, %dma_start3A_636, %dma_start3A_637] : memref<26x100000x32xf32, #tpu.memory_space<hbm>> -> memref<1x100000x32xf32, #tpu.memory_space<hbm>>
        %dma_start3A_639 = tpu.memref_squeeze %dma_start3A_638 : memref<1x100000x32xf32, #tpu.memory_space<hbm>> -> memref<100000x32xf32, #tpu.memory_space<hbm>>
        %dma_start3A_640 = arith.constant 0 : i32
        %dma_start3A_641 = arith.constant 0 : i32
        %dma_start3A_642 = tpu.memref_slice %dma_start3A_639[%dma_start3A_640, %dma_start3A_641] : memref<100000x32xf32, #tpu.memory_space<hbm>> -> memref<100000x32xf32, #tpu.memory_space<hbm>>
        tpu.enqueue_indirect_dma source(%dma_start3A_642 : memref<100000x32xf32, #tpu.memory_space<hbm>>) target(%dma_start3A_632 : memref<32x32xf32, #tpu.memory_space<vmem>>) offsets(%dma_start3A_635 : memref<32xi32, #tpu.memory_space<vmem>>) semaphore(%arg8 : memref<!tpu.dma_semaphore, #tpu.memory_space<semaphore_mem>>)
        %rem3A_643 = arith.constant 2 : i32
        %rem3A_644 = arith.remsi %add3A_585, %rem3A_643 : i32
        %dma_start3A_645 = arith.constant 3 : i32
        %dma_start3A_646 = arith.constant 3 : i32
        %dma_start3A_647 = arith.constant 3 : i32
        %dma_start3A_648 = arith.constant 0 : i32
        %dma_start3A_649 = arith.constant 0 : i32
        %dma_start3A_650 = tpu.memref_slice %arg6[%rem3A_644, %dma_start3A_647, %dma_start3A_648, %dma_start3A_649] : memref<2x26x32x32xf32, #tpu.memory_space<vmem>> -> memref<1x1x32x32xf32, #tpu.memory_space<vmem>>
        %dma_start3A_651 = tpu.memref_squeeze %dma_start3A_650 : memref<1x1x32x32xf32, #tpu.memory_space<vmem>> -> memref<32x32xf32, #tpu.memory_space<vmem>>
        %dma_start3A_652 = arith.constant 0 : i32
        %dma_start3A_653 = tpu.memref_slice %arg5[%dma_start3A_646, %add3A_585, %dma_start3A_652] : memref<26x16x32xi32, #tpu.memory_space<vmem>> -> memref<1x1x32xi32, #tpu.memory_space<vmem>>
        %dma_start3A_654 = tpu.memref_squeeze %dma_start3A_653 : memref<1x1x32xi32, #tpu.memory_space<vmem>> -> memref<32xi32, #tpu.memory_space<vmem>>
        %dma_start3A_655 = arith.constant 0 : i32
        %dma_start3A_656 = arith.constant 0 : i32
        %dma_start3A_657 = tpu.memref_slice %arg2[%dma_start3A_645, %dma_start3A_655, %dma_start3A_656] : memref<26x100000x32xf32, #tpu.memory_space<hbm>> -> memref<1x100000x32xf32, #tpu.memory_space<hbm>>
        %dma_start3A_658 = tpu.memref_squeeze %dma_start3A_657 : memref<1x100000x32xf32, #tpu.memory_space<hbm>> -> memref<100000x32xf32, #tpu.memory_space<hbm>>
        %dma_start3A_659 = arith.constant 0 : i32
        %dma_start3A_660 = arith.constant 0 : i32
        %dma_start3A_661 = tpu.memref_slice %dma_start3A_658[%dma_start3A_659, %dma_start3A_660] : memref<100000x32xf32, #tpu.memory_space<hbm>> -> memref<100000x32xf32, #tpu.memory_space<hbm>>
        tpu.enqueue_indirect_dma source(%dma_start3A_661 : memref<100000x32xf32, #tpu.memory_space<hbm>>) target(%dma_start3A_651 : memref<32x32xf32, #tpu.memory_space<vmem>>) offsets(%dma_start3A_654 : memref<32xi32, #tpu.memory_space<vmem>>) semaphore(%arg8 : memref<!tpu.dma_semaphore, #tpu.memory_space<semaphore_mem>>)
        %rem3A_662 = arith.constant 2 : i32
        %rem3A_663 = arith.remsi %add3A_585, %rem3A_662 : i32
        %dma_start3A_664 = arith.constant 4 : i32
        %dma_start3A_665 = arith.constant 4 : i32
        %dma_start3A_666 = arith.constant 4 : i32
        %dma_start3A_667 = arith.constant 0 : i32
        %dma_start3A_668 = arith.constant 0 : i32
        %dma_start3A_669 = tpu.memref_slice %arg6[%rem3A_663, %dma_start3A_666, %dma_start3A_667, %dma_start3A_668] : memref<2x26x32x32xf32, #tpu.memory_space<vmem>> -> memref<1x1x32x32xf32, #tpu.memory_space<vmem>>
        %dma_start3A_670 = tpu.memref_squeeze %dma_start3A_669 : memref<1x1x32x32xf32, #tpu.memory_space<vmem>> -> memref<32x32xf32, #tpu.memory_space<vmem>>
        %dma_start3A_671 = arith.constant 0 : i32
        %dma_start3A_672 = tpu.memref_slice %arg5[%dma_start3A_665, %add3A_585, %dma_start3A_671] : memref<26x16x32xi32, #tpu.memory_space<vmem>> -> memref<1x1x32xi32, #tpu.memory_space<vmem>>
        %dma_start3A_673 = tpu.memref_squeeze %dma_start3A_672 : memref<1x1x32xi32, #tpu.memory_space<vmem>> -> memref<32xi32, #tpu.memory_space<vmem>>
        %dma_start3A_674 = arith.constant 0 : i32
        %dma_start3A_675 = arith.constant 0 : i32
        %dma_start3A_676 = tpu.memref_slice %arg2[%dma_start3A_664, %dma_start3A_674, %dma_start3A_675] : memref<26x100000x32xf32, #tpu.memory_space<hbm>> -> memref<1x100000x32xf32, #tpu.memory_space<hbm>>
        %dma_start3A_677 = tpu.memref_squeeze %dma_start3A_676 : memref<1x100000x32xf32, #tpu.memory_space<hbm>> -> memref<100000x32xf32, #tpu.memory_space<hbm>>
        %dma_start3A_678 = arith.constant 0 : i32
        %dma_start3A_679 = arith.constant 0 : i32
        %dma_start3A_680 = tpu.memref_slice %dma_start3A_677[%dma_start3A_678, %dma_start3A_679] : memref<100000x32xf32, #tpu.memory_space<hbm>> -> memref<100000x32xf32, #tpu.memory_space<hbm>>
        tpu.enqueue_indirect_dma source(%dma_start3A_680 : memref<100000x32xf32, #tpu.memory_space<hbm>>) target(%dma_start3A_670 : memref<32x32xf32, #tpu.memory_space<vmem>>) offsets(%dma_start3A_673 : memref<32xi32, #tpu.memory_space<vmem>>) semaphore(%arg8 : memref<!tpu.dma_semaphore, #tpu.memory_space<semaphore_mem>>)
        %rem3A_681 = arith.constant 2 : i32
        %rem3A_682 = arith.remsi %add3A_585, %rem3A_681 : i32
        %dma_start3A_683 = arith.constant 5 : i32
        %dma_start3A_684 = arith.constant 5 : i32
        %dma_start3A_685 = arith.constant 5 : i32
        %dma_start3A_686 = arith.constant 0 : i32
        %dma_start3A_687 = arith.constant 0 : i32
        %dma_start3A_688 = tpu.memref_slice %arg6[%rem3A_682, %dma_start3A_685, %dma_start3A_686, %dma_start3A_687] : memref<2x26x32x32xf32, #tpu.memory_space<vmem>> -> memref<1x1x32x32xf32, #tpu.memory_space<vmem>>
        %dma_start3A_689 = tpu.memref_squeeze %dma_start3A_688 : memref<1x1x32x32xf32, #tpu.memory_space<vmem>> -> memref<32x32xf32, #tpu.memory_space<vmem>>
        %dma_start3A_690 = arith.constant 0 : i32
        %dma_start3A_691 = tpu.memref_slice %arg5[%dma_start3A_684, %add3A_585, %dma_start3A_690] : memref<26x16x32xi32, #tpu.memory_space<vmem>> -> memref<1x1x32xi32, #tpu.memory_space<vmem>>
        %dma_start3A_692 = tpu.memref_squeeze %dma_start3A_691 : memref<1x1x32xi32, #tpu.memory_space<vmem>> -> memref<32xi32, #tpu.memory_space<vmem>>
        %dma_start3A_693 = arith.constant 0 : i32
        %dma_start3A_694 = arith.constant 0 : i32
        %dma_start3A_695 = tpu.memref_slice %arg2[%dma_start3A_683, %dma_start3A_693, %dma_start3A_694] : memref<26x100000x32xf32, #tpu.memory_space<hbm>> -> memref<1x100000x32xf32, #tpu.memory_space<hbm>>
        %dma_start3A_696 = tpu.memref_squeeze %dma_start3A_695 : memref<1x100000x32xf32, #tpu.memory_space<hbm>> -> memref<100000x32xf32, #tpu.memory_space<hbm>>
        %dma_start3A_697 = arith.constant 0 : i32
        %dma_start3A_698 = arith.constant 0 : i32
        %dma_start3A_699 = tpu.memref_slice %dma_start3A_696[%dma_start3A_697, %dma_start3A_698] : memref<100000x32xf32, #tpu.memory_space<hbm>> -> memref<100000x32xf32, #tpu.memory_space<hbm>>
        tpu.enqueue_indirect_dma source(%dma_start3A_699 : memref<100000x32xf32, #tpu.memory_space<hbm>>) target(%dma_start3A_689 : memref<32x32xf32, #tpu.memory_space<vmem>>) offsets(%dma_start3A_692 : memref<32xi32, #tpu.memory_space<vmem>>) semaphore(%arg8 : memref<!tpu.dma_semaphore, #tpu.memory_space<semaphore_mem>>)
        %rem3A_700 = arith.constant 2 : i32
        %rem3A_701 = arith.remsi %add3A_585, %rem3A_700 : i32
        %dma_start3A_702 = arith.constant 6 : i32
        %dma_start3A_703 = arith.constant 6 : i32
        %dma_start3A_704 = arith.constant 6 : i32
        %dma_start3A_705 = arith.constant 0 : i32
        %dma_start3A_706 = arith.constant 0 : i32
        %dma_start3A_707 = tpu.memref_slice %arg6[%rem3A_701, %dma_start3A_704, %dma_start3A_705, %dma_start3A_706] : memref<2x26x32x32xf32, #tpu.memory_space<vmem>> -> memref<1x1x32x32xf32, #tpu.memory_space<vmem>>
        %dma_start3A_708 = tpu.memref_squeeze %dma_start3A_707 : memref<1x1x32x32xf32, #tpu.memory_space<vmem>> -> memref<32x32xf32, #tpu.memory_space<vmem>>
        %dma_start3A_709 = arith.constant 0 : i32
        %dma_start3A_710 = tpu.memref_slice %arg5[%dma_start3A_703, %add3A_585, %dma_start3A_709] : memref<26x16x32xi32, #tpu.memory_space<vmem>> -> memref<1x1x32xi32, #tpu.memory_space<vmem>>
        %dma_start3A_711 = tpu.memref_squeeze %dma_start3A_710 : memref<1x1x32xi32, #tpu.memory_space<vmem>> -> memref<32xi32, #tpu.memory_space<vmem>>
        %dma_start3A_712 = arith.constant 0 : i32
        %dma_start3A_713 = arith.constant 0 : i32
        %dma_start3A_714 = tpu.memref_slice %arg2[%dma_start3A_702, %dma_start3A_712, %dma_start3A_713] : memref<26x100000x32xf32, #tpu.memory_space<hbm>> -> memref<1x100000x32xf32, #tpu.memory_space<hbm>>
        %dma_start3A_715 = tpu.memref_squeeze %dma_start3A_714 : memref<1x100000x32xf32, #tpu.memory_space<hbm>> -> memref<100000x32xf32, #tpu.memory_space<hbm>>
        %dma_start3A_716 = arith.constant 0 : i32
        %dma_start3A_717 = arith.constant 0 : i32
        %dma_start3A_718 = tpu.memref_slice %dma_start3A_715[%dma_start3A_716, %dma_start3A_717] : memref<100000x32xf32, #tpu.memory_space<hbm>> -> memref<100000x32xf32, #tpu.memory_space<hbm>>
        tpu.enqueue_indirect_dma source(%dma_start3A_718 : memref<100000x32xf32, #tpu.memory_space<hbm>>) target(%dma_start3A_708 : memref<32x32xf32, #tpu.memory_space<vmem>>) offsets(%dma_start3A_711 : memref<32xi32, #tpu.memory_space<vmem>>) semaphore(%arg8 : memref<!tpu.dma_semaphore, #tpu.memory_space<semaphore_mem>>)
        %rem3A_719 = arith.constant 2 : i32
        %rem3A_720 = arith.remsi %add3A_585, %rem3A_719 : i32
        %dma_start3A_721 = arith.constant 7 : i32
        %dma_start3A_722 = arith.constant 7 : i32
        %dma_start3A_723 = arith.constant 7 : i32
        %dma_start3A_724 = arith.constant 0 : i32
        %dma_start3A_725 = arith.constant 0 : i32
        %dma_start3A_726 = tpu.memref_slice %arg6[%rem3A_720, %dma_start3A_723, %dma_start3A_724, %dma_start3A_725] : memref<2x26x32x32xf32, #tpu.memory_space<vmem>> -> memref<1x1x32x32xf32, #tpu.memory_space<vmem>>
        %dma_start3A_727 = tpu.memref_squeeze %dma_start3A_726 : memref<1x1x32x32xf32, #tpu.memory_space<vmem>> -> memref<32x32xf32, #tpu.memory_space<vmem>>
        %dma_start3A_728 = arith.constant 0 : i32
        %dma_start3A_729 = tpu.memref_slice %arg5[%dma_start3A_722, %add3A_585, %dma_start3A_728] : memref<26x16x32xi32, #tpu.memory_space<vmem>> -> memref<1x1x32xi32, #tpu.memory_space<vmem>>
        %dma_start3A_730 = tpu.memref_squeeze %dma_start3A_729 : memref<1x1x32xi32, #tpu.memory_space<vmem>> -> memref<32xi32, #tpu.memory_space<vmem>>
        %dma_start3A_731 = arith.constant 0 : i32
        %dma_start3A_732 = arith.constant 0 : i32
        %dma_start3A_733 = tpu.memref_slice %arg2[%dma_start3A_721, %dma_start3A_731, %dma_start3A_732] : memref<26x100000x32xf32, #tpu.memory_space<hbm>> -> memref<1x100000x32xf32, #tpu.memory_space<hbm>>
        %dma_start3A_734 = tpu.memref_squeeze %dma_start3A_733 : memref<1x100000x32xf32, #tpu.memory_space<hbm>> -> memref<100000x32xf32, #tpu.memory_space<hbm>>
        %dma_start3A_735 = arith.constant 0 : i32
        %dma_start3A_736 = arith.constant 0 : i32
        %dma_start3A_737 = tpu.memref_slice %dma_start3A_734[%dma_start3A_735, %dma_start3A_736] : memref<100000x32xf32, #tpu.memory_space<hbm>> -> memref<100000x32xf32, #tpu.memory_space<hbm>>
        tpu.enqueue_indirect_dma source(%dma_start3A_737 : memref<100000x32xf32, #tpu.memory_space<hbm>>) target(%dma_start3A_727 : memref<32x32xf32, #tpu.memory_space<vmem>>) offsets(%dma_start3A_730 : memref<32xi32, #tpu.memory_space<vmem>>) semaphore(%arg8 : memref<!tpu.dma_semaphore, #tpu.memory_space<semaphore_mem>>)
        %rem3A_738 = arith.constant 2 : i32
        %rem3A_739 = arith.remsi %add3A_585, %rem3A_738 : i32
        %dma_start3A_740 = arith.constant 8 : i32
        %dma_start3A_741 = arith.constant 8 : i32
        %dma_start3A_742 = arith.constant 8 : i32
        %dma_start3A_743 = arith.constant 0 : i32
        %dma_start3A_744 = arith.constant 0 : i32
        %dma_start3A_745 = tpu.memref_slice %arg6[%rem3A_739, %dma_start3A_742, %dma_start3A_743, %dma_start3A_744] : memref<2x26x32x32xf32, #tpu.memory_space<vmem>> -> memref<1x1x32x32xf32, #tpu.memory_space<vmem>>
        %dma_start3A_746 = tpu.memref_squeeze %dma_start3A_745 : memref<1x1x32x32xf32, #tpu.memory_space<vmem>> -> memref<32x32xf32, #tpu.memory_space<vmem>>
        %dma_start3A_747 = arith.constant 0 : i32
        %dma_start3A_748 = tpu.memref_slice %arg5[%dma_start3A_741, %add3A_585, %dma_start3A_747] : memref<26x16x32xi32, #tpu.memory_space<vmem>> -> memref<1x1x32xi32, #tpu.memory_space<vmem>>
        %dma_start3A_749 = tpu.memref_squeeze %dma_start3A_748 : memref<1x1x32xi32, #tpu.memory_space<vmem>> -> memref<32xi32, #tpu.memory_space<vmem>>
        %dma_start3A_750 = arith.constant 0 : i32
        %dma_start3A_751 = arith.constant 0 : i32
        %dma_start3A_752 = tpu.memref_slice %arg2[%dma_start3A_740, %dma_start3A_750, %dma_start3A_751] : memref<26x100000x32xf32, #tpu.memory_space<hbm>> -> memref<1x100000x32xf32, #tpu.memory_space<hbm>>
        %dma_start3A_753 = tpu.memref_squeeze %dma_start3A_752 : memref<1x100000x32xf32, #tpu.memory_space<hbm>> -> memref<100000x32xf32, #tpu.memory_space<hbm>>
        %dma_start3A_754 = arith.constant 0 : i32
        %dma_start3A_755 = arith.constant 0 : i32
        %dma_start3A_756 = tpu.memref_slice %dma_start3A_753[%dma_start3A_754, %dma_start3A_755] : memref<100000x32xf32, #tpu.memory_space<hbm>> -> memref<100000x32xf32, #tpu.memory_space<hbm>>
        tpu.enqueue_indirect_dma source(%dma_start3A_756 : memref<100000x32xf32, #tpu.memory_space<hbm>>) target(%dma_start3A_746 : memref<32x32xf32, #tpu.memory_space<vmem>>) offsets(%dma_start3A_749 : memref<32xi32, #tpu.memory_space<vmem>>) semaphore(%arg8 : memref<!tpu.dma_semaphore, #tpu.memory_space<semaphore_mem>>)
        %rem3A_757 = arith.constant 2 : i32
        %rem3A_758 = arith.remsi %add3A_585, %rem3A_757 : i32
        %dma_start3A_759 = arith.constant 9 : i32
        %dma_start3A_760 = arith.constant 9 : i32
        %dma_start3A_761 = arith.constant 9 : i32
        %dma_start3A_762 = arith.constant 0 : i32
        %dma_start3A_763 = arith.constant 0 : i32
        %dma_start3A_764 = tpu.memref_slice %arg6[%rem3A_758, %dma_start3A_761, %dma_start3A_762, %dma_start3A_763] : memref<2x26x32x32xf32, #tpu.memory_space<vmem>> -> memref<1x1x32x32xf32, #tpu.memory_space<vmem>>
        %dma_start3A_765 = tpu.memref_squeeze %dma_start3A_764 : memref<1x1x32x32xf32, #tpu.memory_space<vmem>> -> memref<32x32xf32, #tpu.memory_space<vmem>>
        %dma_start3A_766 = arith.constant 0 : i32
        %dma_start3A_767 = tpu.memref_slice %arg5[%dma_start3A_760, %add3A_585, %dma_start3A_766] : memref<26x16x32xi32, #tpu.memory_space<vmem>> -> memref<1x1x32xi32, #tpu.memory_space<vmem>>
        %dma_start3A_768 = tpu.memref_squeeze %dma_start3A_767 : memref<1x1x32xi32, #tpu.memory_space<vmem>> -> memref<32xi32, #tpu.memory_space<vmem>>
        %dma_start3A_769 = arith.constant 0 : i32
        %dma_start3A_770 = arith.constant 0 : i32
        %dma_start3A_771 = tpu.memref_slice %arg2[%dma_start3A_759, %dma_start3A_769, %dma_start3A_770] : memref<26x100000x32xf32, #tpu.memory_space<hbm>> -> memref<1x100000x32xf32, #tpu.memory_space<hbm>>
        %dma_start3A_772 = tpu.memref_squeeze %dma_start3A_771 : memref<1x100000x32xf32, #tpu.memory_space<hbm>> -> memref<100000x32xf32, #tpu.memory_space<hbm>>
        %dma_start3A_773 = arith.constant 0 : i32
        %dma_start3A_774 = arith.constant 0 : i32
        %dma_start3A_775 = tpu.memref_slice %dma_start3A_772[%dma_start3A_773, %dma_start3A_774] : memref<100000x32xf32, #tpu.memory_space<hbm>> -> memref<100000x32xf32, #tpu.memory_space<hbm>>
        tpu.enqueue_indirect_dma source(%dma_start3A_775 : memref<100000x32xf32, #tpu.memory_space<hbm>>) target(%dma_start3A_765 : memref<32x32xf32, #tpu.memory_space<vmem>>) offsets(%dma_start3A_768 : memref<32xi32, #tpu.memory_space<vmem>>) semaphore(%arg8 : memref<!tpu.dma_semaphore, #tpu.memory_space<semaphore_mem>>)
        %rem3A_776 = arith.constant 2 : i32
        %rem3A_777 = arith.remsi %add3A_585, %rem3A_776 : i32
        %dma_start3A_778 = arith.constant 10 : i32
        %dma_start3A_779 = arith.constant 10 : i32
        %dma_start3A_780 = arith.constant 10 : i32
        %dma_start3A_781 = arith.constant 0 : i32
        %dma_start3A_782 = arith.constant 0 : i32
        %dma_start3A_783 = tpu.memref_slice %arg6[%rem3A_777, %dma_start3A_780, %dma_start3A_781, %dma_start3A_782] : memref<2x26x32x32xf32, #tpu.memory_space<vmem>> -> memref<1x1x32x32xf32, #tpu.memory_space<vmem>>
        %dma_start3A_784 = tpu.memref_squeeze %dma_start3A_783 : memref<1x1x32x32xf32, #tpu.memory_space<vmem>> -> memref<32x32xf32, #tpu.memory_space<vmem>>
        %dma_start3A_785 = arith.constant 0 : i32
        %dma_start3A_786 = tpu.memref_slice %arg5[%dma_start3A_779, %add3A_585, %dma_start3A_785] : memref<26x16x32xi32, #tpu.memory_space<vmem>> -> memref<1x1x32xi32, #tpu.memory_space<vmem>>
        %dma_start3A_787 = tpu.memref_squeeze %dma_start3A_786 : memref<1x1x32xi32, #tpu.memory_space<vmem>> -> memref<32xi32, #tpu.memory_space<vmem>>
        %dma_start3A_788 = arith.constant 0 : i32
        %dma_start3A_789 = arith.constant 0 : i32
        %dma_start3A_790 = tpu.memref_slice %arg2[%dma_start3A_778, %dma_start3A_788, %dma_start3A_789] : memref<26x100000x32xf32, #tpu.memory_space<hbm>> -> memref<1x100000x32xf32, #tpu.memory_space<hbm>>
        %dma_start3A_791 = tpu.memref_squeeze %dma_start3A_790 : memref<1x100000x32xf32, #tpu.memory_space<hbm>> -> memref<100000x32xf32, #tpu.memory_space<hbm>>
        %dma_start3A_792 = arith.constant 0 : i32
        %dma_start3A_793 = arith.constant 0 : i32
        %dma_start3A_794 = tpu.memref_slice %dma_start3A_791[%dma_start3A_792, %dma_start3A_793] : memref<100000x32xf32, #tpu.memory_space<hbm>> -> memref<100000x32xf32, #tpu.memory_space<hbm>>
        tpu.enqueue_indirect_dma source(%dma_start3A_794 : memref<100000x32xf32, #tpu.memory_space<hbm>>) target(%dma_start3A_784 : memref<32x32xf32, #tpu.memory_space<vmem>>) offsets(%dma_start3A_787 : memref<32xi32, #tpu.memory_space<vmem>>) semaphore(%arg8 : memref<!tpu.dma_semaphore, #tpu.memory_space<semaphore_mem>>)
        %rem3A_795 = arith.constant 2 : i32
        %rem3A_796 = arith.remsi %add3A_585, %rem3A_795 : i32
        %dma_start3A_797 = arith.constant 11 : i32
        %dma_start3A_798 = arith.constant 11 : i32
        %dma_start3A_799 = arith.constant 11 : i32
        %dma_start3A_800 = arith.constant 0 : i32
        %dma_start3A_801 = arith.constant 0 : i32
        %dma_start3A_802 = tpu.memref_slice %arg6[%rem3A_796, %dma_start3A_799, %dma_start3A_800, %dma_start3A_801] : memref<2x26x32x32xf32, #tpu.memory_space<vmem>> -> memref<1x1x32x32xf32, #tpu.memory_space<vmem>>
        %dma_start3A_803 = tpu.memref_squeeze %dma_start3A_802 : memref<1x1x32x32xf32, #tpu.memory_space<vmem>> -> memref<32x32xf32, #tpu.memory_space<vmem>>
        %dma_start3A_804 = arith.constant 0 : i32
        %dma_start3A_805 = tpu.memref_slice %arg5[%dma_start3A_798, %add3A_585, %dma_start3A_804] : memref<26x16x32xi32, #tpu.memory_space<vmem>> -> memref<1x1x32xi32, #tpu.memory_space<vmem>>
        %dma_start3A_806 = tpu.memref_squeeze %dma_start3A_805 : memref<1x1x32xi32, #tpu.memory_space<vmem>> -> memref<32xi32, #tpu.memory_space<vmem>>
        %dma_start3A_807 = arith.constant 0 : i32
        %dma_start3A_808 = arith.constant 0 : i32
        %dma_start3A_809 = tpu.memref_slice %arg2[%dma_start3A_797, %dma_start3A_807, %dma_start3A_808] : memref<26x100000x32xf32, #tpu.memory_space<hbm>> -> memref<1x100000x32xf32, #tpu.memory_space<hbm>>
        %dma_start3A_810 = tpu.memref_squeeze %dma_start3A_809 : memref<1x100000x32xf32, #tpu.memory_space<hbm>> -> memref<100000x32xf32, #tpu.memory_space<hbm>>
        %dma_start3A_811 = arith.constant 0 : i32
        %dma_start3A_812 = arith.constant 0 : i32
        %dma_start3A_813 = tpu.memref_slice %dma_start3A_810[%dma_start3A_811, %dma_start3A_812] : memref<100000x32xf32, #tpu.memory_space<hbm>> -> memref<100000x32xf32, #tpu.memory_space<hbm>>
        tpu.enqueue_indirect_dma source(%dma_start3A_813 : memref<100000x32xf32, #tpu.memory_space<hbm>>) target(%dma_start3A_803 : memref<32x32xf32, #tpu.memory_space<vmem>>) offsets(%dma_start3A_806 : memref<32xi32, #tpu.memory_space<vmem>>) semaphore(%arg8 : memref<!tpu.dma_semaphore, #tpu.memory_space<semaphore_mem>>)
        %rem3A_814 = arith.constant 2 : i32
        %rem3A_815 = arith.remsi %add3A_585, %rem3A_814 : i32
        %dma_start3A_816 = arith.constant 12 : i32
        %dma_start3A_817 = arith.constant 12 : i32
        %dma_start3A_818 = arith.constant 12 : i32
        %dma_start3A_819 = arith.constant 0 : i32
        %dma_start3A_820 = arith.constant 0 : i32
        %dma_start3A_821 = tpu.memref_slice %arg6[%rem3A_815, %dma_start3A_818, %dma_start3A_819, %dma_start3A_820] : memref<2x26x32x32xf32, #tpu.memory_space<vmem>> -> memref<1x1x32x32xf32, #tpu.memory_space<vmem>>
        %dma_start3A_822 = tpu.memref_squeeze %dma_start3A_821 : memref<1x1x32x32xf32, #tpu.memory_space<vmem>> -> memref<32x32xf32, #tpu.memory_space<vmem>>
        %dma_start3A_823 = arith.constant 0 : i32
        %dma_start3A_824 = tpu.memref_slice %arg5[%dma_start3A_817, %add3A_585, %dma_start3A_823] : memref<26x16x32xi32, #tpu.memory_space<vmem>> -> memref<1x1x32xi32, #tpu.memory_space<vmem>>
        %dma_start3A_825 = tpu.memref_squeeze %dma_start3A_824 : memref<1x1x32xi32, #tpu.memory_space<vmem>> -> memref<32xi32, #tpu.memory_space<vmem>>
        %dma_start3A_826 = arith.constant 0 : i32
        %dma_start3A_827 = arith.constant 0 : i32
        %dma_start3A_828 = tpu.memref_slice %arg2[%dma_start3A_816, %dma_start3A_826, %dma_start3A_827] : memref<26x100000x32xf32, #tpu.memory_space<hbm>> -> memref<1x100000x32xf32, #tpu.memory_space<hbm>>
        %dma_start3A_829 = tpu.memref_squeeze %dma_start3A_828 : memref<1x100000x32xf32, #tpu.memory_space<hbm>> -> memref<100000x32xf32, #tpu.memory_space<hbm>>
        %dma_start3A_830 = arith.constant 0 : i32
        %dma_start3A_831 = arith.constant 0 : i32
        %dma_start3A_832 = tpu.memref_slice %dma_start3A_829[%dma_start3A_830, %dma_start3A_831] : memref<100000x32xf32, #tpu.memory_space<hbm>> -> memref<100000x32xf32, #tpu.memory_space<hbm>>
        tpu.enqueue_indirect_dma source(%dma_start3A_832 : memref<100000x32xf32, #tpu.memory_space<hbm>>) target(%dma_start3A_822 : memref<32x32xf32, #tpu.memory_space<vmem>>) offsets(%dma_start3A_825 : memref<32xi32, #tpu.memory_space<vmem>>) semaphore(%arg8 : memref<!tpu.dma_semaphore, #tpu.memory_space<semaphore_mem>>)
        %rem3A_833 = arith.constant 2 : i32
        %rem3A_834 = arith.remsi %add3A_585, %rem3A_833 : i32
        %dma_start3A_835 = arith.constant 13 : i32
        %dma_start3A_836 = arith.constant 13 : i32
        %dma_start3A_837 = arith.constant 13 : i32
        %dma_start3A_838 = arith.constant 0 : i32
        %dma_start3A_839 = arith.constant 0 : i32
        %dma_start3A_840 = tpu.memref_slice %arg6[%rem3A_834, %dma_start3A_837, %dma_start3A_838, %dma_start3A_839] : memref<2x26x32x32xf32, #tpu.memory_space<vmem>> -> memref<1x1x32x32xf32, #tpu.memory_space<vmem>>
        %dma_start3A_841 = tpu.memref_squeeze %dma_start3A_840 : memref<1x1x32x32xf32, #tpu.memory_space<vmem>> -> memref<32x32xf32, #tpu.memory_space<vmem>>
        %dma_start3A_842 = arith.constant 0 : i32
        %dma_start3A_843 = tpu.memref_slice %arg5[%dma_start3A_836, %add3A_585, %dma_start3A_842] : memref<26x16x32xi32, #tpu.memory_space<vmem>> -> memref<1x1x32xi32, #tpu.memory_space<vmem>>
        %dma_start3A_844 = tpu.memref_squeeze %dma_start3A_843 : memref<1x1x32xi32, #tpu.memory_space<vmem>> -> memref<32xi32, #tpu.memory_space<vmem>>
        %dma_start3A_845 = arith.constant 0 : i32
        %dma_start3A_846 = arith.constant 0 : i32
        %dma_start3A_847 = tpu.memref_slice %arg2[%dma_start3A_835, %dma_start3A_845, %dma_start3A_846] : memref<26x100000x32xf32, #tpu.memory_space<hbm>> -> memref<1x100000x32xf32, #tpu.memory_space<hbm>>
        %dma_start3A_848 = tpu.memref_squeeze %dma_start3A_847 : memref<1x100000x32xf32, #tpu.memory_space<hbm>> -> memref<100000x32xf32, #tpu.memory_space<hbm>>
        %dma_start3A_849 = arith.constant 0 : i32
        %dma_start3A_850 = arith.constant 0 : i32
        %dma_start3A_851 = tpu.memref_slice %dma_start3A_848[%dma_start3A_849, %dma_start3A_850] : memref<100000x32xf32, #tpu.memory_space<hbm>> -> memref<100000x32xf32, #tpu.memory_space<hbm>>
        tpu.enqueue_indirect_dma source(%dma_start3A_851 : memref<100000x32xf32, #tpu.memory_space<hbm>>) target(%dma_start3A_841 : memref<32x32xf32, #tpu.memory_space<vmem>>) offsets(%dma_start3A_844 : memref<32xi32, #tpu.memory_space<vmem>>) semaphore(%arg8 : memref<!tpu.dma_semaphore, #tpu.memory_space<semaphore_mem>>)
        %rem3A_852 = arith.constant 2 : i32
        %rem3A_853 = arith.remsi %add3A_585, %rem3A_852 : i32
        %dma_start3A_854 = arith.constant 14 : i32
        %dma_start3A_855 = arith.constant 14 : i32
        %dma_start3A_856 = arith.constant 14 : i32
        %dma_start3A_857 = arith.constant 0 : i32
        %dma_start3A_858 = arith.constant 0 : i32
        %dma_start3A_859 = tpu.memref_slice %arg6[%rem3A_853, %dma_start3A_856, %dma_start3A_857, %dma_start3A_858] : memref<2x26x32x32xf32, #tpu.memory_space<vmem>> -> memref<1x1x32x32xf32, #tpu.memory_space<vmem>>
        %dma_start3A_860 = tpu.memref_squeeze %dma_start3A_859 : memref<1x1x32x32xf32, #tpu.memory_space<vmem>> -> memref<32x32xf32, #tpu.memory_space<vmem>>
        %dma_start3A_861 = arith.constant 0 : i32
        %dma_start3A_862 = tpu.memref_slice %arg5[%dma_start3A_855, %add3A_585, %dma_start3A_861] : memref<26x16x32xi32, #tpu.memory_space<vmem>> -> memref<1x1x32xi32, #tpu.memory_space<vmem>>
        %dma_start3A_863 = tpu.memref_squeeze %dma_start3A_862 : memref<1x1x32xi32, #tpu.memory_space<vmem>> -> memref<32xi32, #tpu.memory_space<vmem>>
        %dma_start3A_864 = arith.constant 0 : i32
        %dma_start3A_865 = arith.constant 0 : i32
        %dma_start3A_866 = tpu.memref_slice %arg2[%dma_start3A_854, %dma_start3A_864, %dma_start3A_865] : memref<26x100000x32xf32, #tpu.memory_space<hbm>> -> memref<1x100000x32xf32, #tpu.memory_space<hbm>>
        %dma_start3A_867 = tpu.memref_squeeze %dma_start3A_866 : memref<1x100000x32xf32, #tpu.memory_space<hbm>> -> memref<100000x32xf32, #tpu.memory_space<hbm>>
        %dma_start3A_868 = arith.constant 0 : i32
        %dma_start3A_869 = arith.constant 0 : i32
        %dma_start3A_870 = tpu.memref_slice %dma_start3A_867[%dma_start3A_868, %dma_start3A_869] : memref<100000x32xf32, #tpu.memory_space<hbm>> -> memref<100000x32xf32, #tpu.memory_space<hbm>>
        tpu.enqueue_indirect_dma source(%dma_start3A_870 : memref<100000x32xf32, #tpu.memory_space<hbm>>) target(%dma_start3A_860 : memref<32x32xf32, #tpu.memory_space<vmem>>) offsets(%dma_start3A_863 : memref<32xi32, #tpu.memory_space<vmem>>) semaphore(%arg8 : memref<!tpu.dma_semaphore, #tpu.memory_space<semaphore_mem>>)
        %rem3A_871 = arith.constant 2 : i32
        %rem3A_872 = arith.remsi %add3A_585, %rem3A_871 : i32
        %dma_start3A_873 = arith.constant 15 : i32
        %dma_start3A_874 = arith.constant 15 : i32
        %dma_start3A_875 = arith.constant 15 : i32
        %dma_start3A_876 = arith.constant 0 : i32
        %dma_start3A_877 = arith.constant 0 : i32
        %dma_start3A_878 = tpu.memref_slice %arg6[%rem3A_872, %dma_start3A_875, %dma_start3A_876, %dma_start3A_877] : memref<2x26x32x32xf32, #tpu.memory_space<vmem>> -> memref<1x1x32x32xf32, #tpu.memory_space<vmem>>
        %dma_start3A_879 = tpu.memref_squeeze %dma_start3A_878 : memref<1x1x32x32xf32, #tpu.memory_space<vmem>> -> memref<32x32xf32, #tpu.memory_space<vmem>>
        %dma_start3A_880 = arith.constant 0 : i32
        %dma_start3A_881 = tpu.memref_slice %arg5[%dma_start3A_874, %add3A_585, %dma_start3A_880] : memref<26x16x32xi32, #tpu.memory_space<vmem>> -> memref<1x1x32xi32, #tpu.memory_space<vmem>>
        %dma_start3A_882 = tpu.memref_squeeze %dma_start3A_881 : memref<1x1x32xi32, #tpu.memory_space<vmem>> -> memref<32xi32, #tpu.memory_space<vmem>>
        %dma_start3A_883 = arith.constant 0 : i32
        %dma_start3A_884 = arith.constant 0 : i32
        %dma_start3A_885 = tpu.memref_slice %arg2[%dma_start3A_873, %dma_start3A_883, %dma_start3A_884] : memref<26x100000x32xf32, #tpu.memory_space<hbm>> -> memref<1x100000x32xf32, #tpu.memory_space<hbm>>
        %dma_start3A_886 = tpu.memref_squeeze %dma_start3A_885 : memref<1x100000x32xf32, #tpu.memory_space<hbm>> -> memref<100000x32xf32, #tpu.memory_space<hbm>>
        %dma_start3A_887 = arith.constant 0 : i32
        %dma_start3A_888 = arith.constant 0 : i32
        %dma_start3A_889 = tpu.memref_slice %dma_start3A_886[%dma_start3A_887, %dma_start3A_888] : memref<100000x32xf32, #tpu.memory_space<hbm>> -> memref<100000x32xf32, #tpu.memory_space<hbm>>
        tpu.enqueue_indirect_dma source(%dma_start3A_889 : memref<100000x32xf32, #tpu.memory_space<hbm>>) target(%dma_start3A_879 : memref<32x32xf32, #tpu.memory_space<vmem>>) offsets(%dma_start3A_882 : memref<32xi32, #tpu.memory_space<vmem>>) semaphore(%arg8 : memref<!tpu.dma_semaphore, #tpu.memory_space<semaphore_mem>>)
        %rem3A_890 = arith.constant 2 : i32
        %rem3A_891 = arith.remsi %add3A_585, %rem3A_890 : i32
        %dma_start3A_892 = arith.constant 16 : i32
        %dma_start3A_893 = arith.constant 16 : i32
        %dma_start3A_894 = arith.constant 16 : i32
        %dma_start3A_895 = arith.constant 0 : i32
        %dma_start3A_896 = arith.constant 0 : i32
        %dma_start3A_897 = tpu.memref_slice %arg6[%rem3A_891, %dma_start3A_894, %dma_start3A_895, %dma_start3A_896] : memref<2x26x32x32xf32, #tpu.memory_space<vmem>> -> memref<1x1x32x32xf32, #tpu.memory_space<vmem>>
        %dma_start3A_898 = tpu.memref_squeeze %dma_start3A_897 : memref<1x1x32x32xf32, #tpu.memory_space<vmem>> -> memref<32x32xf32, #tpu.memory_space<vmem>>
        %dma_start3A_899 = arith.constant 0 : i32
        %dma_start3A_900 = tpu.memref_slice %arg5[%dma_start3A_893, %add3A_585, %dma_start3A_899] : memref<26x16x32xi32, #tpu.memory_space<vmem>> -> memref<1x1x32xi32, #tpu.memory_space<vmem>>
        %dma_start3A_901 = tpu.memref_squeeze %dma_start3A_900 : memref<1x1x32xi32, #tpu.memory_space<vmem>> -> memref<32xi32, #tpu.memory_space<vmem>>
        %dma_start3A_902 = arith.constant 0 : i32
        %dma_start3A_903 = arith.constant 0 : i32
        %dma_start3A_904 = tpu.memref_slice %arg2[%dma_start3A_892, %dma_start3A_902, %dma_start3A_903] : memref<26x100000x32xf32, #tpu.memory_space<hbm>> -> memref<1x100000x32xf32, #tpu.memory_space<hbm>>
        %dma_start3A_905 = tpu.memref_squeeze %dma_start3A_904 : memref<1x100000x32xf32, #tpu.memory_space<hbm>> -> memref<100000x32xf32, #tpu.memory_space<hbm>>
        %dma_start3A_906 = arith.constant 0 : i32
        %dma_start3A_907 = arith.constant 0 : i32
        %dma_start3A_908 = tpu.memref_slice %dma_start3A_905[%dma_start3A_906, %dma_start3A_907] : memref<100000x32xf32, #tpu.memory_space<hbm>> -> memref<100000x32xf32, #tpu.memory_space<hbm>>
        tpu.enqueue_indirect_dma source(%dma_start3A_908 : memref<100000x32xf32, #tpu.memory_space<hbm>>) target(%dma_start3A_898 : memref<32x32xf32, #tpu.memory_space<vmem>>) offsets(%dma_start3A_901 : memref<32xi32, #tpu.memory_space<vmem>>) semaphore(%arg8 : memref<!tpu.dma_semaphore, #tpu.memory_space<semaphore_mem>>)
        %rem3A_909 = arith.constant 2 : i32
        %rem3A_910 = arith.remsi %add3A_585, %rem3A_909 : i32
        %dma_start3A_911 = arith.constant 17 : i32
        %dma_start3A_912 = arith.constant 17 : i32
        %dma_start3A_913 = arith.constant 17 : i32
        %dma_start3A_914 = arith.constant 0 : i32
        %dma_start3A_915 = arith.constant 0 : i32
        %dma_start3A_916 = tpu.memref_slice %arg6[%rem3A_910, %dma_start3A_913, %dma_start3A_914, %dma_start3A_915] : memref<2x26x32x32xf32, #tpu.memory_space<vmem>> -> memref<1x1x32x32xf32, #tpu.memory_space<vmem>>
        %dma_start3A_917 = tpu.memref_squeeze %dma_start3A_916 : memref<1x1x32x32xf32, #tpu.memory_space<vmem>> -> memref<32x32xf32, #tpu.memory_space<vmem>>
        %dma_start3A_918 = arith.constant 0 : i32
        %dma_start3A_919 = tpu.memref_slice %arg5[%dma_start3A_912, %add3A_585, %dma_start3A_918] : memref<26x16x32xi32, #tpu.memory_space<vmem>> -> memref<1x1x32xi32, #tpu.memory_space<vmem>>
        %dma_start3A_920 = tpu.memref_squeeze %dma_start3A_919 : memref<1x1x32xi32, #tpu.memory_space<vmem>> -> memref<32xi32, #tpu.memory_space<vmem>>
        %dma_start3A_921 = arith.constant 0 : i32
        %dma_start3A_922 = arith.constant 0 : i32
        %dma_start3A_923 = tpu.memref_slice %arg2[%dma_start3A_911, %dma_start3A_921, %dma_start3A_922] : memref<26x100000x32xf32, #tpu.memory_space<hbm>> -> memref<1x100000x32xf32, #tpu.memory_space<hbm>>
        %dma_start3A_924 = tpu.memref_squeeze %dma_start3A_923 : memref<1x100000x32xf32, #tpu.memory_space<hbm>> -> memref<100000x32xf32, #tpu.memory_space<hbm>>
        %dma_start3A_925 = arith.constant 0 : i32
        %dma_start3A_926 = arith.constant 0 : i32
        %dma_start3A_927 = tpu.memref_slice %dma_start3A_924[%dma_start3A_925, %dma_start3A_926] : memref<100000x32xf32, #tpu.memory_space<hbm>> -> memref<100000x32xf32, #tpu.memory_space<hbm>>
        tpu.enqueue_indirect_dma source(%dma_start3A_927 : memref<100000x32xf32, #tpu.memory_space<hbm>>) target(%dma_start3A_917 : memref<32x32xf32, #tpu.memory_space<vmem>>) offsets(%dma_start3A_920 : memref<32xi32, #tpu.memory_space<vmem>>) semaphore(%arg8 : memref<!tpu.dma_semaphore, #tpu.memory_space<semaphore_mem>>)
        %rem3A_928 = arith.constant 2 : i32
        %rem3A_929 = arith.remsi %add3A_585, %rem3A_928 : i32
        %dma_start3A_930 = arith.constant 18 : i32
        %dma_start3A_931 = arith.constant 18 : i32
        %dma_start3A_932 = arith.constant 18 : i32
        %dma_start3A_933 = arith.constant 0 : i32
        %dma_start3A_934 = arith.constant 0 : i32
        %dma_start3A_935 = tpu.memref_slice %arg6[%rem3A_929, %dma_start3A_932, %dma_start3A_933, %dma_start3A_934] : memref<2x26x32x32xf32, #tpu.memory_space<vmem>> -> memref<1x1x32x32xf32, #tpu.memory_space<vmem>>
        %dma_start3A_936 = tpu.memref_squeeze %dma_start3A_935 : memref<1x1x32x32xf32, #tpu.memory_space<vmem>> -> memref<32x32xf32, #tpu.memory_space<vmem>>
        %dma_start3A_937 = arith.constant 0 : i32
        %dma_start3A_938 = tpu.memref_slice %arg5[%dma_start3A_931, %add3A_585, %dma_start3A_937] : memref<26x16x32xi32, #tpu.memory_space<vmem>> -> memref<1x1x32xi32, #tpu.memory_space<vmem>>
        %dma_start3A_939 = tpu.memref_squeeze %dma_start3A_938 : memref<1x1x32xi32, #tpu.memory_space<vmem>> -> memref<32xi32, #tpu.memory_space<vmem>>
        %dma_start3A_940 = arith.constant 0 : i32
        %dma_start3A_941 = arith.constant 0 : i32
        %dma_start3A_942 = tpu.memref_slice %arg2[%dma_start3A_930, %dma_start3A_940, %dma_start3A_941] : memref<26x100000x32xf32, #tpu.memory_space<hbm>> -> memref<1x100000x32xf32, #tpu.memory_space<hbm>>
        %dma_start3A_943 = tpu.memref_squeeze %dma_start3A_942 : memref<1x100000x32xf32, #tpu.memory_space<hbm>> -> memref<100000x32xf32, #tpu.memory_space<hbm>>
        %dma_start3A_944 = arith.constant 0 : i32
        %dma_start3A_945 = arith.constant 0 : i32
        %dma_start3A_946 = tpu.memref_slice %dma_start3A_943[%dma_start3A_944, %dma_start3A_945] : memref<100000x32xf32, #tpu.memory_space<hbm>> -> memref<100000x32xf32, #tpu.memory_space<hbm>>
        tpu.enqueue_indirect_dma source(%dma_start3A_946 : memref<100000x32xf32, #tpu.memory_space<hbm>>) target(%dma_start3A_936 : memref<32x32xf32, #tpu.memory_space<vmem>>) offsets(%dma_start3A_939 : memref<32xi32, #tpu.memory_space<vmem>>) semaphore(%arg8 : memref<!tpu.dma_semaphore, #tpu.memory_space<semaphore_mem>>)
        %rem3A_947 = arith.constant 2 : i32
        %rem3A_948 = arith.remsi %add3A_585, %rem3A_947 : i32
        %dma_start3A_949 = arith.constant 19 : i32
        %dma_start3A_950 = arith.constant 19 : i32
        %dma_start3A_951 = arith.constant 19 : i32
        %dma_start3A_952 = arith.constant 0 : i32
        %dma_start3A_953 = arith.constant 0 : i32
        %dma_start3A_954 = tpu.memref_slice %arg6[%rem3A_948, %dma_start3A_951, %dma_start3A_952, %dma_start3A_953] : memref<2x26x32x32xf32, #tpu.memory_space<vmem>> -> memref<1x1x32x32xf32, #tpu.memory_space<vmem>>
        %dma_start3A_955 = tpu.memref_squeeze %dma_start3A_954 : memref<1x1x32x32xf32, #tpu.memory_space<vmem>> -> memref<32x32xf32, #tpu.memory_space<vmem>>
        %dma_start3A_956 = arith.constant 0 : i32
        %dma_start3A_957 = tpu.memref_slice %arg5[%dma_start3A_950, %add3A_585, %dma_start3A_956] : memref<26x16x32xi32, #tpu.memory_space<vmem>> -> memref<1x1x32xi32, #tpu.memory_space<vmem>>
        %dma_start3A_958 = tpu.memref_squeeze %dma_start3A_957 : memref<1x1x32xi32, #tpu.memory_space<vmem>> -> memref<32xi32, #tpu.memory_space<vmem>>
        %dma_start3A_959 = arith.constant 0 : i32
        %dma_start3A_960 = arith.constant 0 : i32
        %dma_start3A_961 = tpu.memref_slice %arg2[%dma_start3A_949, %dma_start3A_959, %dma_start3A_960] : memref<26x100000x32xf32, #tpu.memory_space<hbm>> -> memref<1x100000x32xf32, #tpu.memory_space<hbm>>
        %dma_start3A_962 = tpu.memref_squeeze %dma_start3A_961 : memref<1x100000x32xf32, #tpu.memory_space<hbm>> -> memref<100000x32xf32, #tpu.memory_space<hbm>>
        %dma_start3A_963 = arith.constant 0 : i32
        %dma_start3A_964 = arith.constant 0 : i32
        %dma_start3A_965 = tpu.memref_slice %dma_start3A_962[%dma_start3A_963, %dma_start3A_964] : memref<100000x32xf32, #tpu.memory_space<hbm>> -> memref<100000x32xf32, #tpu.memory_space<hbm>>
        tpu.enqueue_indirect_dma source(%dma_start3A_965 : memref<100000x32xf32, #tpu.memory_space<hbm>>) target(%dma_start3A_955 : memref<32x32xf32, #tpu.memory_space<vmem>>) offsets(%dma_start3A_958 : memref<32xi32, #tpu.memory_space<vmem>>) semaphore(%arg8 : memref<!tpu.dma_semaphore, #tpu.memory_space<semaphore_mem>>)
        %rem3A_966 = arith.constant 2 : i32
        %rem3A_967 = arith.remsi %add3A_585, %rem3A_966 : i32
        %dma_start3A_968 = arith.constant 20 : i32
        %dma_start3A_969 = arith.constant 20 : i32
        %dma_start3A_970 = arith.constant 20 : i32
        %dma_start3A_971 = arith.constant 0 : i32
        %dma_start3A_972 = arith.constant 0 : i32
        %dma_start3A_973 = tpu.memref_slice %arg6[%rem3A_967, %dma_start3A_970, %dma_start3A_971, %dma_start3A_972] : memref<2x26x32x32xf32, #tpu.memory_space<vmem>> -> memref<1x1x32x32xf32, #tpu.memory_space<vmem>>
        %dma_start3A_974 = tpu.memref_squeeze %dma_start3A_973 : memref<1x1x32x32xf32, #tpu.memory_space<vmem>> -> memref<32x32xf32, #tpu.memory_space<vmem>>
        %dma_start3A_975 = arith.constant 0 : i32
        %dma_start3A_976 = tpu.memref_slice %arg5[%dma_start3A_969, %add3A_585, %dma_start3A_975] : memref<26x16x32xi32, #tpu.memory_space<vmem>> -> memref<1x1x32xi32, #tpu.memory_space<vmem>>
        %dma_start3A_977 = tpu.memref_squeeze %dma_start3A_976 : memref<1x1x32xi32, #tpu.memory_space<vmem>> -> memref<32xi32, #tpu.memory_space<vmem>>
        %dma_start3A_978 = arith.constant 0 : i32
        %dma_start3A_979 = arith.constant 0 : i32
        %dma_start3A_980 = tpu.memref_slice %arg2[%dma_start3A_968, %dma_start3A_978, %dma_start3A_979] : memref<26x100000x32xf32, #tpu.memory_space<hbm>> -> memref<1x100000x32xf32, #tpu.memory_space<hbm>>
        %dma_start3A_981 = tpu.memref_squeeze %dma_start3A_980 : memref<1x100000x32xf32, #tpu.memory_space<hbm>> -> memref<100000x32xf32, #tpu.memory_space<hbm>>
        %dma_start3A_982 = arith.constant 0 : i32
        %dma_start3A_983 = arith.constant 0 : i32
        %dma_start3A_984 = tpu.memref_slice %dma_start3A_981[%dma_start3A_982, %dma_start3A_983] : memref<100000x32xf32, #tpu.memory_space<hbm>> -> memref<100000x32xf32, #tpu.memory_space<hbm>>
        tpu.enqueue_indirect_dma source(%dma_start3A_984 : memref<100000x32xf32, #tpu.memory_space<hbm>>) target(%dma_start3A_974 : memref<32x32xf32, #tpu.memory_space<vmem>>) offsets(%dma_start3A_977 : memref<32xi32, #tpu.memory_space<vmem>>) semaphore(%arg8 : memref<!tpu.dma_semaphore, #tpu.memory_space<semaphore_mem>>)
        %rem3A_985 = arith.constant 2 : i32
        %rem3A_986 = arith.remsi %add3A_585, %rem3A_985 : i32
        %dma_start3A_987 = arith.constant 21 : i32
        %dma_start3A_988 = arith.constant 21 : i32
        %dma_start3A_989 = arith.constant 21 : i32
        %dma_start3A_990 = arith.constant 0 : i32
        %dma_start3A_991 = arith.constant 0 : i32
        %dma_start3A_992 = tpu.memref_slice %arg6[%rem3A_986, %dma_start3A_989, %dma_start3A_990, %dma_start3A_991] : memref<2x26x32x32xf32, #tpu.memory_space<vmem>> -> memref<1x1x32x32xf32, #tpu.memory_space<vmem>>
        %dma_start3A_993 = tpu.memref_squeeze %dma_start3A_992 : memref<1x1x32x32xf32, #tpu.memory_space<vmem>> -> memref<32x32xf32, #tpu.memory_space<vmem>>
        %dma_start3A_994 = arith.constant 0 : i32
        %dma_start3A_995 = tpu.memref_slice %arg5[%dma_start3A_988, %add3A_585, %dma_start3A_994] : memref<26x16x32xi32, #tpu.memory_space<vmem>> -> memref<1x1x32xi32, #tpu.memory_space<vmem>>
        %dma_start3A_996 = tpu.memref_squeeze %dma_start3A_995 : memref<1x1x32xi32, #tpu.memory_space<vmem>> -> memref<32xi32, #tpu.memory_space<vmem>>
        %dma_start3A_997 = arith.constant 0 : i32
        %dma_start3A_998 = arith.constant 0 : i32
        %dma_start3A_999 = tpu.memref_slice %arg2[%dma_start3A_987, %dma_start3A_997, %dma_start3A_998] : memref<26x100000x32xf32, #tpu.memory_space<hbm>> -> memref<1x100000x32xf32, #tpu.memory_space<hbm>>
        %dma_start3A_1000 = tpu.memref_squeeze %dma_start3A_999 : memref<1x100000x32xf32, #tpu.memory_space<hbm>> -> memref<100000x32xf32, #tpu.memory_space<hbm>>
        %dma_start3A_1001 = arith.constant 0 : i32
        %dma_start3A_1002 = arith.constant 0 : i32
        %dma_start3A_1003 = tpu.memref_slice %dma_start3A_1000[%dma_start3A_1001, %dma_start3A_1002] : memref<100000x32xf32, #tpu.memory_space<hbm>> -> memref<100000x32xf32, #tpu.memory_space<hbm>>
        tpu.enqueue_indirect_dma source(%dma_start3A_1003 : memref<100000x32xf32, #tpu.memory_space<hbm>>) target(%dma_start3A_993 : memref<32x32xf32, #tpu.memory_space<vmem>>) offsets(%dma_start3A_996 : memref<32xi32, #tpu.memory_space<vmem>>) semaphore(%arg8 : memref<!tpu.dma_semaphore, #tpu.memory_space<semaphore_mem>>)
        %rem3A_1004 = arith.constant 2 : i32
        %rem3A_1005 = arith.remsi %add3A_585, %rem3A_1004 : i32
        %dma_start3A_1006 = arith.constant 22 : i32
        %dma_start3A_1007 = arith.constant 22 : i32
        %dma_start3A_1008 = arith.constant 22 : i32
        %dma_start3A_1009 = arith.constant 0 : i32
        %dma_start3A_1010 = arith.constant 0 : i32
        %dma_start3A_1011 = tpu.memref_slice %arg6[%rem3A_1005, %dma_start3A_1008, %dma_start3A_1009, %dma_start3A_1010] : memref<2x26x32x32xf32, #tpu.memory_space<vmem>> -> memref<1x1x32x32xf32, #tpu.memory_space<vmem>>
        %dma_start3A_1012 = tpu.memref_squeeze %dma_start3A_1011 : memref<1x1x32x32xf32, #tpu.memory_space<vmem>> -> memref<32x32xf32, #tpu.memory_space<vmem>>
        %dma_start3A_1013 = arith.constant 0 : i32
        %dma_start3A_1014 = tpu.memref_slice %arg5[%dma_start3A_1007, %add3A_585, %dma_start3A_1013] : memref<26x16x32xi32, #tpu.memory_space<vmem>> -> memref<1x1x32xi32, #tpu.memory_space<vmem>>
        %dma_start3A_1015 = tpu.memref_squeeze %dma_start3A_1014 : memref<1x1x32xi32, #tpu.memory_space<vmem>> -> memref<32xi32, #tpu.memory_space<vmem>>
        %dma_start3A_1016 = arith.constant 0 : i32
        %dma_start3A_1017 = arith.constant 0 : i32
        %dma_start3A_1018 = tpu.memref_slice %arg2[%dma_start3A_1006, %dma_start3A_1016, %dma_start3A_1017] : memref<26x100000x32xf32, #tpu.memory_space<hbm>> -> memref<1x100000x32xf32, #tpu.memory_space<hbm>>
        %dma_start3A_1019 = tpu.memref_squeeze %dma_start3A_1018 : memref<1x100000x32xf32, #tpu.memory_space<hbm>> -> memref<100000x32xf32, #tpu.memory_space<hbm>>
        %dma_start3A_1020 = arith.constant 0 : i32
        %dma_start3A_1021 = arith.constant 0 : i32
        %dma_start3A_1022 = tpu.memref_slice %dma_start3A_1019[%dma_start3A_1020, %dma_start3A_1021] : memref<100000x32xf32, #tpu.memory_space<hbm>> -> memref<100000x32xf32, #tpu.memory_space<hbm>>
        tpu.enqueue_indirect_dma source(%dma_start3A_1022 : memref<100000x32xf32, #tpu.memory_space<hbm>>) target(%dma_start3A_1012 : memref<32x32xf32, #tpu.memory_space<vmem>>) offsets(%dma_start3A_1015 : memref<32xi32, #tpu.memory_space<vmem>>) semaphore(%arg8 : memref<!tpu.dma_semaphore, #tpu.memory_space<semaphore_mem>>)
        %rem3A_1023 = arith.constant 2 : i32
        %rem3A_1024 = arith.remsi %add3A_585, %rem3A_1023 : i32
        %dma_start3A_1025 = arith.constant 23 : i32
        %dma_start3A_1026 = arith.constant 23 : i32
        %dma_start3A_1027 = arith.constant 23 : i32
        %dma_start3A_1028 = arith.constant 0 : i32
        %dma_start3A_1029 = arith.constant 0 : i32
        %dma_start3A_1030 = tpu.memref_slice %arg6[%rem3A_1024, %dma_start3A_1027, %dma_start3A_1028, %dma_start3A_1029] : memref<2x26x32x32xf32, #tpu.memory_space<vmem>> -> memref<1x1x32x32xf32, #tpu.memory_space<vmem>>
        %dma_start3A_1031 = tpu.memref_squeeze %dma_start3A_1030 : memref<1x1x32x32xf32, #tpu.memory_space<vmem>> -> memref<32x32xf32, #tpu.memory_space<vmem>>
        %dma_start3A_1032 = arith.constant 0 : i32
        %dma_start3A_1033 = tpu.memref_slice %arg5[%dma_start3A_1026, %add3A_585, %dma_start3A_1032] : memref<26x16x32xi32, #tpu.memory_space<vmem>> -> memref<1x1x32xi32, #tpu.memory_space<vmem>>
        %dma_start3A_1034 = tpu.memref_squeeze %dma_start3A_1033 : memref<1x1x32xi32, #tpu.memory_space<vmem>> -> memref<32xi32, #tpu.memory_space<vmem>>
        %dma_start3A_1035 = arith.constant 0 : i32
        %dma_start3A_1036 = arith.constant 0 : i32
        %dma_start3A_1037 = tpu.memref_slice %arg2[%dma_start3A_1025, %dma_start3A_1035, %dma_start3A_1036] : memref<26x100000x32xf32, #tpu.memory_space<hbm>> -> memref<1x100000x32xf32, #tpu.memory_space<hbm>>
        %dma_start3A_1038 = tpu.memref_squeeze %dma_start3A_1037 : memref<1x100000x32xf32, #tpu.memory_space<hbm>> -> memref<100000x32xf32, #tpu.memory_space<hbm>>
        %dma_start3A_1039 = arith.constant 0 : i32
        %dma_start3A_1040 = arith.constant 0 : i32
        %dma_start3A_1041 = tpu.memref_slice %dma_start3A_1038[%dma_start3A_1039, %dma_start3A_1040] : memref<100000x32xf32, #tpu.memory_space<hbm>> -> memref<100000x32xf32, #tpu.memory_space<hbm>>
        tpu.enqueue_indirect_dma source(%dma_start3A_1041 : memref<100000x32xf32, #tpu.memory_space<hbm>>) target(%dma_start3A_1031 : memref<32x32xf32, #tpu.memory_space<vmem>>) offsets(%dma_start3A_1034 : memref<32xi32, #tpu.memory_space<vmem>>) semaphore(%arg8 : memref<!tpu.dma_semaphore, #tpu.memory_space<semaphore_mem>>)
        %rem3A_1042 = arith.constant 2 : i32
        %rem3A_1043 = arith.remsi %add3A_585, %rem3A_1042 : i32
        %dma_start3A_1044 = arith.constant 24 : i32
        %dma_start3A_1045 = arith.constant 24 : i32
        %dma_start3A_1046 = arith.constant 24 : i32
        %dma_start3A_1047 = arith.constant 0 : i32
        %dma_start3A_1048 = arith.constant 0 : i32
        %dma_start3A_1049 = tpu.memref_slice %arg6[%rem3A_1043, %dma_start3A_1046, %dma_start3A_1047, %dma_start3A_1048] : memref<2x26x32x32xf32, #tpu.memory_space<vmem>> -> memref<1x1x32x32xf32, #tpu.memory_space<vmem>>
        %dma_start3A_1050 = tpu.memref_squeeze %dma_start3A_1049 : memref<1x1x32x32xf32, #tpu.memory_space<vmem>> -> memref<32x32xf32, #tpu.memory_space<vmem>>
        %dma_start3A_1051 = arith.constant 0 : i32
        %dma_start3A_1052 = tpu.memref_slice %arg5[%dma_start3A_1045, %add3A_585, %dma_start3A_1051] : memref<26x16x32xi32, #tpu.memory_space<vmem>> -> memref<1x1x32xi32, #tpu.memory_space<vmem>>
        %dma_start3A_1053 = tpu.memref_squeeze %dma_start3A_1052 : memref<1x1x32xi32, #tpu.memory_space<vmem>> -> memref<32xi32, #tpu.memory_space<vmem>>
        %dma_start3A_1054 = arith.constant 0 : i32
        %dma_start3A_1055 = arith.constant 0 : i32
        %dma_start3A_1056 = tpu.memref_slice %arg2[%dma_start3A_1044, %dma_start3A_1054, %dma_start3A_1055] : memref<26x100000x32xf32, #tpu.memory_space<hbm>> -> memref<1x100000x32xf32, #tpu.memory_space<hbm>>
        %dma_start3A_1057 = tpu.memref_squeeze %dma_start3A_1056 : memref<1x100000x32xf32, #tpu.memory_space<hbm>> -> memref<100000x32xf32, #tpu.memory_space<hbm>>
        %dma_start3A_1058 = arith.constant 0 : i32
        %dma_start3A_1059 = arith.constant 0 : i32
        %dma_start3A_1060 = tpu.memref_slice %dma_start3A_1057[%dma_start3A_1058, %dma_start3A_1059] : memref<100000x32xf32, #tpu.memory_space<hbm>> -> memref<100000x32xf32, #tpu.memory_space<hbm>>
        tpu.enqueue_indirect_dma source(%dma_start3A_1060 : memref<100000x32xf32, #tpu.memory_space<hbm>>) target(%dma_start3A_1050 : memref<32x32xf32, #tpu.memory_space<vmem>>) offsets(%dma_start3A_1053 : memref<32xi32, #tpu.memory_space<vmem>>) semaphore(%arg8 : memref<!tpu.dma_semaphore, #tpu.memory_space<semaphore_mem>>)
        %rem3A_1061 = arith.constant 2 : i32
        %rem3A_1062 = arith.remsi %add3A_585, %rem3A_1061 : i32
        %dma_start3A_1063 = arith.constant 25 : i32
        %dma_start3A_1064 = arith.constant 25 : i32
        %dma_start3A_1065 = arith.constant 25 : i32
        %dma_start3A_1066 = arith.constant 0 : i32
        %dma_start3A_1067 = arith.constant 0 : i32
        %dma_start3A_1068 = tpu.memref_slice %arg6[%rem3A_1062, %dma_start3A_1065, %dma_start3A_1066, %dma_start3A_1067] : memref<2x26x32x32xf32, #tpu.memory_space<vmem>> -> memref<1x1x32x32xf32, #tpu.memory_space<vmem>>
        %dma_start3A_1069 = tpu.memref_squeeze %dma_start3A_1068 : memref<1x1x32x32xf32, #tpu.memory_space<vmem>> -> memref<32x32xf32, #tpu.memory_space<vmem>>
        %dma_start3A_1070 = arith.constant 0 : i32
        %dma_start3A_1071 = tpu.memref_slice %arg5[%dma_start3A_1064, %add3A_585, %dma_start3A_1070] : memref<26x16x32xi32, #tpu.memory_space<vmem>> -> memref<1x1x32xi32, #tpu.memory_space<vmem>>
        %dma_start3A_1072 = tpu.memref_squeeze %dma_start3A_1071 : memref<1x1x32xi32, #tpu.memory_space<vmem>> -> memref<32xi32, #tpu.memory_space<vmem>>
        %dma_start3A_1073 = arith.constant 0 : i32
        %dma_start3A_1074 = arith.constant 0 : i32
        %dma_start3A_1075 = tpu.memref_slice %arg2[%dma_start3A_1063, %dma_start3A_1073, %dma_start3A_1074] : memref<26x100000x32xf32, #tpu.memory_space<hbm>> -> memref<1x100000x32xf32, #tpu.memory_space<hbm>>
        %dma_start3A_1076 = tpu.memref_squeeze %dma_start3A_1075 : memref<1x100000x32xf32, #tpu.memory_space<hbm>> -> memref<100000x32xf32, #tpu.memory_space<hbm>>
        %dma_start3A_1077 = arith.constant 0 : i32
        %dma_start3A_1078 = arith.constant 0 : i32
        %dma_start3A_1079 = tpu.memref_slice %dma_start3A_1076[%dma_start3A_1077, %dma_start3A_1078] : memref<100000x32xf32, #tpu.memory_space<hbm>> -> memref<100000x32xf32, #tpu.memory_space<hbm>>
        tpu.enqueue_indirect_dma source(%dma_start3A_1079 : memref<100000x32xf32, #tpu.memory_space<hbm>>) target(%dma_start3A_1069 : memref<32x32xf32, #tpu.memory_space<vmem>>) offsets(%dma_start3A_1072 : memref<32xi32, #tpu.memory_space<vmem>>) semaphore(%arg8 : memref<!tpu.dma_semaphore, #tpu.memory_space<semaphore_mem>>)
      } else {
      }
      %scan3A_578 = arith.constant 0 : i32
      %scan3A_579 = arith.constant 0 : i32
      %scan3A_580 = arith.constant 32 : i32
      %scan3A_581 = arith.addi %scan3A_579, %scan3A_580 : i32
      %scan3A_582 = arith.constant 1 : i32
      scf.for %scan3A_584 = %scan3A_579 to %scan3A_581 step %scan3A_582  : i32 {
        %get3A = arith.constant 0 : i32
        %get3A_585 = arith.index_cast %rem3A_556 : i32 to index
        %get3A_586 = arith.index_cast %get3A : i32 to index
        %get3A_587 = arith.index_cast %scan3A_584 : i32 to index
        %get3A_588 = arith.constant 0 : index
        %get3A_589 = tpu.vector_load %arg6[%get3A_585, %get3A_586, %get3A_587, %get3A_588] {strides = array<i32>} : memref<2x26x32x32xf32, #tpu.memory_space<vmem>>, vector<16xf32>,
        %get3A_590 = arith.constant 0 : i32
        %get3A_591 = arith.index_cast %rem3A_556 : i32 to index
        %get3A_592 = arith.index_cast %get3A_590 : i32 to index
        %get3A_593 = arith.index_cast %scan3A_584 : i32 to index
        %get3A_594 = arith.constant 16 : index
        %get3A_595 = tpu.vector_load %arg6[%get3A_591, %get3A_592, %get3A_593, %get3A_594] {strides = array<i32>} : memref<2x26x32x32xf32, #tpu.memory_space<vmem>>, vector<16xf32>,
        %get3A_596 = arith.constant 1 : i32
        %get3A_597 = arith.index_cast %rem3A_556 : i32 to index
        %get3A_598 = arith.index_cast %get3A_596 : i32 to index
        %get3A_599 = arith.index_cast %scan3A_584 : i32 to index
        %get3A_600 = arith.constant 0 : index
        %get3A_601 = tpu.vector_load %arg6[%get3A_597, %get3A_598, %get3A_599, %get3A_600] {strides = array<i32>} : memref<2x26x32x32xf32, #tpu.memory_space<vmem>>, vector<16xf32>,
        %add3A_602 = arith.addf %get3A_589, %get3A_601 : vector<16xf32>
        %get3A_603 = arith.constant 1 : i32
        %get3A_604 = arith.index_cast %rem3A_556 : i32 to index
        %get3A_605 = arith.index_cast %get3A_603 : i32 to index
        %get3A_606 = arith.index_cast %scan3A_584 : i32 to index
        %get3A_607 = arith.constant 16 : index
        %get3A_608 = tpu.vector_load %arg6[%get3A_604, %get3A_605, %get3A_606, %get3A_607] {strides = array<i32>} : memref<2x26x32x32xf32, #tpu.memory_space<vmem>>, vector<16xf32>,
        %add3A_609 = arith.addf %get3A_595, %get3A_608 : vector<16xf32>
        %get3A_610 = arith.constant 2 : i32
        %get3A_611 = arith.index_cast %rem3A_556 : i32 to index
        %get3A_612 = arith.index_cast %get3A_610 : i32 to index
        %get3A_613 = arith.index_cast %scan3A_584 : i32 to index
        %get3A_614 = arith.constant 0 : index
        %get3A_615 = tpu.vector_load %arg6[%get3A_611, %get3A_612, %get3A_613, %get3A_614] {strides = array<i32>} : memref<2x26x32x32xf32, #tpu.memory_space<vmem>>, vector<16xf32>,
        %add3A_616 = arith.addf %add3A_602, %get3A_615 : vector<16xf32>
        %get3A_617 = arith.constant 2 : i32
        %get3A_618 = arith.index_cast %rem3A_556 : i32 to index
        %get3A_619 = arith.index_cast %get3A_617 : i32 to index
        %get3A_620 = arith.index_cast %scan3A_584 : i32 to index
        %get3A_621 = arith.constant 16 : index
        %get3A_622 = tpu.vector_load %arg6[%get3A_618, %get3A_619, %get3A_620, %get3A_621] {strides = array<i32>} : memref<2x26x32x32xf32, #tpu.memory_space<vmem>>, vector<16xf32>,
        %add3A_623 = arith.addf %add3A_609, %get3A_622 : vector<16xf32>
        %get3A_624 = arith.constant 3 : i32
        %get3A_625 = arith.index_cast %rem3A_556 : i32 to index
        %get3A_626 = arith.index_cast %get3A_624 : i32 to index
        %get3A_627 = arith.index_cast %scan3A_584 : i32 to index
        %get3A_628 = arith.constant 0 : index
        %get3A_629 = tpu.vector_load %arg6[%get3A_625, %get3A_626, %get3A_627, %get3A_628] {strides = array<i32>} : memref<2x26x32x32xf32, #tpu.memory_space<vmem>>, vector<16xf32>,
        %add3A_630 = arith.addf %add3A_616, %get3A_629 : vector<16xf32>
        %get3A_631 = arith.constant 3 : i32
        %get3A_632 = arith.index_cast %rem3A_556 : i32 to index
        %get3A_633 = arith.index_cast %get3A_631 : i32 to index
        %get3A_634 = arith.index_cast %scan3A_584 : i32 to index
        %get3A_635 = arith.constant 16 : index
        %get3A_636 = tpu.vector_load %arg6[%get3A_632, %get3A_633, %get3A_634, %get3A_635] {strides = array<i32>} : memref<2x26x32x32xf32, #tpu.memory_space<vmem>>, vector<16xf32>,
        %add3A_637 = arith.addf %add3A_623, %get3A_636 : vector<16xf32>
        %get3A_638 = arith.constant 4 : i32
        %get3A_639 = arith.index_cast %rem3A_556 : i32 to index
        %get3A_640 = arith.index_cast %get3A_638 : i32 to index
        %get3A_641 = arith.index_cast %scan3A_584 : i32 to index
        %get3A_642 = arith.constant 0 : index
        %get3A_643 = tpu.vector_load %arg6[%get3A_639, %get3A_640, %get3A_641, %get3A_642] {strides = array<i32>} : memref<2x26x32x32xf32, #tpu.memory_space<vmem>>, vector<16xf32>,
        %add3A_644 = arith.addf %add3A_630, %get3A_643 : vector<16xf32>
        %get3A_645 = arith.constant 4 : i32
        %get3A_646 = arith.index_cast %rem3A_556 : i32 to index
        %get3A_647 = arith.index_cast %get3A_645 : i32 to index
        %get3A_648 = arith.index_cast %scan3A_584 : i32 to index
        %get3A_649 = arith.constant 16 : index
        %get3A_650 = tpu.vector_load %arg6[%get3A_646, %get3A_647, %get3A_648, %get3A_649] {strides = array<i32>} : memref<2x26x32x32xf32, #tpu.memory_space<vmem>>, vector<16xf32>,
        %add3A_651 = arith.addf %add3A_637, %get3A_650 : vector<16xf32>
        %get3A_652 = arith.constant 5 : i32
        %get3A_653 = arith.index_cast %rem3A_556 : i32 to index
        %get3A_654 = arith.index_cast %get3A_652 : i32 to index
        %get3A_655 = arith.index_cast %scan3A_584 : i32 to index
        %get3A_656 = arith.constant 0 : index
        %get3A_657 = tpu.vector_load %arg6[%get3A_653, %get3A_654, %get3A_655, %get3A_656] {strides = array<i32>} : memref<2x26x32x32xf32, #tpu.memory_space<vmem>>, vector<16xf32>,
        %add3A_658 = arith.addf %add3A_644, %get3A_657 : vector<16xf32>
        %get3A_659 = arith.constant 5 : i32
        %get3A_660 = arith.index_cast %rem3A_556 : i32 to index
        %get3A_661 = arith.index_cast %get3A_659 : i32 to index
        %get3A_662 = arith.index_cast %scan3A_584 : i32 to index
        %get3A_663 = arith.constant 16 : index
        %get3A_664 = tpu.vector_load %arg6[%get3A_660, %get3A_661, %get3A_662, %get3A_663] {strides = array<i32>} : memref<2x26x32x32xf32, #tpu.memory_space<vmem>>, vector<16xf32>,
        %add3A_665 = arith.addf %add3A_651, %get3A_664 : vector<16xf32>
        %get3A_666 = arith.constant 6 : i32
        %get3A_667 = arith.index_cast %rem3A_556 : i32 to index
        %get3A_668 = arith.index_cast %get3A_666 : i32 to index
        %get3A_669 = arith.index_cast %scan3A_584 : i32 to index
        %get3A_670 = arith.constant 0 : index
        %get3A_671 = tpu.vector_load %arg6[%get3A_667, %get3A_668, %get3A_669, %get3A_670] {strides = array<i32>} : memref<2x26x32x32xf32, #tpu.memory_space<vmem>>, vector<16xf32>,
        %add3A_672 = arith.addf %add3A_658, %get3A_671 : vector<16xf32>
        %get3A_673 = arith.constant 6 : i32
        %get3A_674 = arith.index_cast %rem3A_556 : i32 to index
        %get3A_675 = arith.index_cast %get3A_673 : i32 to index
        %get3A_676 = arith.index_cast %scan3A_584 : i32 to index
        %get3A_677 = arith.constant 16 : index
        %get3A_678 = tpu.vector_load %arg6[%get3A_674, %get3A_675, %get3A_676, %get3A_677] {strides = array<i32>} : memref<2x26x32x32xf32, #tpu.memory_space<vmem>>, vector<16xf32>,
        %add3A_679 = arith.addf %add3A_665, %get3A_678 : vector<16xf32>
        %get3A_680 = arith.constant 7 : i32
        %get3A_681 = arith.index_cast %rem3A_556 : i32 to index
        %get3A_682 = arith.index_cast %get3A_680 : i32 to index
        %get3A_683 = arith.index_cast %scan3A_584 : i32 to index
        %get3A_684 = arith.constant 0 : index
        %get3A_685 = tpu.vector_load %arg6[%get3A_681, %get3A_682, %get3A_683, %get3A_684] {strides = array<i32>} : memref<2x26x32x32xf32, #tpu.memory_space<vmem>>, vector<16xf32>,
        %add3A_686 = arith.addf %add3A_672, %get3A_685 : vector<16xf32>
        %get3A_687 = arith.constant 7 : i32
        %get3A_688 = arith.index_cast %rem3A_556 : i32 to index
        %get3A_689 = arith.index_cast %get3A_687 : i32 to index
        %get3A_690 = arith.index_cast %scan3A_584 : i32 to index
        %get3A_691 = arith.constant 16 : index
        %get3A_692 = tpu.vector_load %arg6[%get3A_688, %get3A_689, %get3A_690, %get3A_691] {strides = array<i32>} : memref<2x26x32x32xf32, #tpu.memory_space<vmem>>, vector<16xf32>,
        %add3A_693 = arith.addf %add3A_679, %get3A_692 : vector<16xf32>
        %get3A_694 = arith.constant 8 : i32
        %get3A_695 = arith.index_cast %rem3A_556 : i32 to index
        %get3A_696 = arith.index_cast %get3A_694 : i32 to index
        %get3A_697 = arith.index_cast %scan3A_584 : i32 to index
        %get3A_698 = arith.constant 0 : index
        %get3A_699 = tpu.vector_load %arg6[%get3A_695, %get3A_696, %get3A_697, %get3A_698] {strides = array<i32>} : memref<2x26x32x32xf32, #tpu.memory_space<vmem>>, vector<16xf32>,
        %add3A_700 = arith.addf %add3A_686, %get3A_699 : vector<16xf32>
        %get3A_701 = arith.constant 8 : i32
        %get3A_702 = arith.index_cast %rem3A_556 : i32 to index
        %get3A_703 = arith.index_cast %get3A_701 : i32 to index
        %get3A_704 = arith.index_cast %scan3A_584 : i32 to index
        %get3A_705 = arith.constant 16 : index
        %get3A_706 = tpu.vector_load %arg6[%get3A_702, %get3A_703, %get3A_704, %get3A_705] {strides = array<i32>} : memref<2x26x32x32xf32, #tpu.memory_space<vmem>>, vector<16xf32>,
        %add3A_707 = arith.addf %add3A_693, %get3A_706 : vector<16xf32>
        %get3A_708 = arith.constant 9 : i32
        %get3A_709 = arith.index_cast %rem3A_556 : i32 to index
        %get3A_710 = arith.index_cast %get3A_708 : i32 to index
        %get3A_711 = arith.index_cast %scan3A_584 : i32 to index
        %get3A_712 = arith.constant 0 : index
        %get3A_713 = tpu.vector_load %arg6[%get3A_709, %get3A_710, %get3A_711, %get3A_712] {strides = array<i32>} : memref<2x26x32x32xf32, #tpu.memory_space<vmem>>, vector<16xf32>,
        %add3A_714 = arith.addf %add3A_700, %get3A_713 : vector<16xf32>
        %get3A_715 = arith.constant 9 : i32
        %get3A_716 = arith.index_cast %rem3A_556 : i32 to index
        %get3A_717 = arith.index_cast %get3A_715 : i32 to index
        %get3A_718 = arith.index_cast %scan3A_584 : i32 to index
        %get3A_719 = arith.constant 16 : index
        %get3A_720 = tpu.vector_load %arg6[%get3A_716, %get3A_717, %get3A_718, %get3A_719] {strides = array<i32>} : memref<2x26x32x32xf32, #tpu.memory_space<vmem>>, vector<16xf32>,
        %add3A_721 = arith.addf %add3A_707, %get3A_720 : vector<16xf32>
        %get3A_722 = arith.constant 10 : i32
        %get3A_723 = arith.index_cast %rem3A_556 : i32 to index
        %get3A_724 = arith.index_cast %get3A_722 : i32 to index
        %get3A_725 = arith.index_cast %scan3A_584 : i32 to index
        %get3A_726 = arith.constant 0 : index
        %get3A_727 = tpu.vector_load %arg6[%get3A_723, %get3A_724, %get3A_725, %get3A_726] {strides = array<i32>} : memref<2x26x32x32xf32, #tpu.memory_space<vmem>>, vector<16xf32>,
        %add3A_728 = arith.addf %add3A_714, %get3A_727 : vector<16xf32>
        %get3A_729 = arith.constant 10 : i32
        %get3A_730 = arith.index_cast %rem3A_556 : i32 to index
        %get3A_731 = arith.index_cast %get3A_729 : i32 to index
        %get3A_732 = arith.index_cast %scan3A_584 : i32 to index
        %get3A_733 = arith.constant 16 : index
        %get3A_734 = tpu.vector_load %arg6[%get3A_730, %get3A_731, %get3A_732, %get3A_733] {strides = array<i32>} : memref<2x26x32x32xf32, #tpu.memory_space<vmem>>, vector<16xf32>,
        %add3A_735 = arith.addf %add3A_721, %get3A_734 : vector<16xf32>
        %get3A_736 = arith.constant 11 : i32
        %get3A_737 = arith.index_cast %rem3A_556 : i32 to index
        %get3A_738 = arith.index_cast %get3A_736 : i32 to index
        %get3A_739 = arith.index_cast %scan3A_584 : i32 to index
        %get3A_740 = arith.constant 0 : index
        %get3A_741 = tpu.vector_load %arg6[%get3A_737, %get3A_738, %get3A_739, %get3A_740] {strides = array<i32>} : memref<2x26x32x32xf32, #tpu.memory_space<vmem>>, vector<16xf32>,
        %add3A_742 = arith.addf %add3A_728, %get3A_741 : vector<16xf32>
        %get3A_743 = arith.constant 11 : i32
        %get3A_744 = arith.index_cast %rem3A_556 : i32 to index
        %get3A_745 = arith.index_cast %get3A_743 : i32 to index
        %get3A_746 = arith.index_cast %scan3A_584 : i32 to index
        %get3A_747 = arith.constant 16 : index
        %get3A_748 = tpu.vector_load %arg6[%get3A_744, %get3A_745, %get3A_746, %get3A_747] {strides = array<i32>} : memref<2x26x32x32xf32, #tpu.memory_space<vmem>>, vector<16xf32>,
        %add3A_749 = arith.addf %add3A_735, %get3A_748 : vector<16xf32>
        %get3A_750 = arith.constant 12 : i32
        %get3A_751 = arith.index_cast %rem3A_556 : i32 to index
        %get3A_752 = arith.index_cast %get3A_750 : i32 to index
        %get3A_753 = arith.index_cast %scan3A_584 : i32 to index
        %get3A_754 = arith.constant 0 : index
        %get3A_755 = tpu.vector_load %arg6[%get3A_751, %get3A_752, %get3A_753, %get3A_754] {strides = array<i32>} : memref<2x26x32x32xf32, #tpu.memory_space<vmem>>, vector<16xf32>,
        %add3A_756 = arith.addf %add3A_742, %get3A_755 : vector<16xf32>
        %get3A_757 = arith.constant 12 : i32
        %get3A_758 = arith.index_cast %rem3A_556 : i32 to index
        %get3A_759 = arith.index_cast %get3A_757 : i32 to index
        %get3A_760 = arith.index_cast %scan3A_584 : i32 to index
        %get3A_761 = arith.constant 16 : index
        %get3A_762 = tpu.vector_load %arg6[%get3A_758, %get3A_759, %get3A_760, %get3A_761] {strides = array<i32>} : memref<2x26x32x32xf32, #tpu.memory_space<vmem>>, vector<16xf32>,
        %add3A_763 = arith.addf %add3A_749, %get3A_762 : vector<16xf32>
        %get3A_764 = arith.constant 13 : i32
        %get3A_765 = arith.index_cast %rem3A_556 : i32 to index
        %get3A_766 = arith.index_cast %get3A_764 : i32 to index
        %get3A_767 = arith.index_cast %scan3A_584 : i32 to index
        %get3A_768 = arith.constant 0 : index
        %get3A_769 = tpu.vector_load %arg6[%get3A_765, %get3A_766, %get3A_767, %get3A_768] {strides = array<i32>} : memref<2x26x32x32xf32, #tpu.memory_space<vmem>>, vector<16xf32>,
        %add3A_770 = arith.addf %add3A_756, %get3A_769 : vector<16xf32>
        %get3A_771 = arith.constant 13 : i32
        %get3A_772 = arith.index_cast %rem3A_556 : i32 to index
        %get3A_773 = arith.index_cast %get3A_771 : i32 to index
        %get3A_774 = arith.index_cast %scan3A_584 : i32 to index
        %get3A_775 = arith.constant 16 : index
        %get3A_776 = tpu.vector_load %arg6[%get3A_772, %get3A_773, %get3A_774, %get3A_775] {strides = array<i32>} : memref<2x26x32x32xf32, #tpu.memory_space<vmem>>, vector<16xf32>,
        %add3A_777 = arith.addf %add3A_763, %get3A_776 : vector<16xf32>
        %get3A_778 = arith.constant 14 : i32
        %get3A_779 = arith.index_cast %rem3A_556 : i32 to index
        %get3A_780 = arith.index_cast %get3A_778 : i32 to index
        %get3A_781 = arith.index_cast %scan3A_584 : i32 to index
        %get3A_782 = arith.constant 0 : index
        %get3A_783 = tpu.vector_load %arg6[%get3A_779, %get3A_780, %get3A_781, %get3A_782] {strides = array<i32>} : memref<2x26x32x32xf32, #tpu.memory_space<vmem>>, vector<16xf32>,
        %add3A_784 = arith.addf %add3A_770, %get3A_783 : vector<16xf32>
        %get3A_785 = arith.constant 14 : i32
        %get3A_786 = arith.index_cast %rem3A_556 : i32 to index
        %get3A_787 = arith.index_cast %get3A_785 : i32 to index
        %get3A_788 = arith.index_cast %scan3A_584 : i32 to index
        %get3A_789 = arith.constant 16 : index
        %get3A_790 = tpu.vector_load %arg6[%get3A_786, %get3A_787, %get3A_788, %get3A_789] {strides = array<i32>} : memref<2x26x32x32xf32, #tpu.memory_space<vmem>>, vector<16xf32>,
        %add3A_791 = arith.addf %add3A_777, %get3A_790 : vector<16xf32>
        %get3A_792 = arith.constant 15 : i32
        %get3A_793 = arith.index_cast %rem3A_556 : i32 to index
        %get3A_794 = arith.index_cast %get3A_792 : i32 to index
        %get3A_795 = arith.index_cast %scan3A_584 : i32 to index
        %get3A_796 = arith.constant 0 : index
        %get3A_797 = tpu.vector_load %arg6[%get3A_793, %get3A_794, %get3A_795, %get3A_796] {strides = array<i32>} : memref<2x26x32x32xf32, #tpu.memory_space<vmem>>, vector<16xf32>,
        %add3A_798 = arith.addf %add3A_784, %get3A_797 : vector<16xf32>
        %get3A_799 = arith.constant 15 : i32
        %get3A_800 = arith.index_cast %rem3A_556 : i32 to index
        %get3A_801 = arith.index_cast %get3A_799 : i32 to index
        %get3A_802 = arith.index_cast %scan3A_584 : i32 to index
        %get3A_803 = arith.constant 16 : index
        %get3A_804 = tpu.vector_load %arg6[%get3A_800, %get3A_801, %get3A_802, %get3A_803] {strides = array<i32>} : memref<2x26x32x32xf32, #tpu.memory_space<vmem>>, vector<16xf32>,
        %add3A_805 = arith.addf %add3A_791, %get3A_804 : vector<16xf32>
        %get3A_806 = arith.constant 16 : i32
        %get3A_807 = arith.index_cast %rem3A_556 : i32 to index
        %get3A_808 = arith.index_cast %get3A_806 : i32 to index
        %get3A_809 = arith.index_cast %scan3A_584 : i32 to index
        %get3A_810 = arith.constant 0 : index
        %get3A_811 = tpu.vector_load %arg6[%get3A_807, %get3A_808, %get3A_809, %get3A_810] {strides = array<i32>} : memref<2x26x32x32xf32, #tpu.memory_space<vmem>>, vector<16xf32>,
        %add3A_812 = arith.addf %add3A_798, %get3A_811 : vector<16xf32>
        %get3A_813 = arith.constant 16 : i32
        %get3A_814 = arith.index_cast %rem3A_556 : i32 to index
        %get3A_815 = arith.index_cast %get3A_813 : i32 to index
        %get3A_816 = arith.index_cast %scan3A_584 : i32 to index
        %get3A_817 = arith.constant 16 : index
        %get3A_818 = tpu.vector_load %arg6[%get3A_814, %get3A_815, %get3A_816, %get3A_817] {strides = array<i32>} : memref<2x26x32x32xf32, #tpu.memory_space<vmem>>, vector<16xf32>,
        %add3A_819 = arith.addf %add3A_805, %get3A_818 : vector<16xf32>
        %get3A_820 = arith.constant 17 : i32
        %get3A_821 = arith.index_cast %rem3A_556 : i32 to index
        %get3A_822 = arith.index_cast %get3A_820 : i32 to index
        %get3A_823 = arith.index_cast %scan3A_584 : i32 to index
        %get3A_824 = arith.constant 0 : index
        %get3A_825 = tpu.vector_load %arg6[%get3A_821, %get3A_822, %get3A_823, %get3A_824] {strides = array<i32>} : memref<2x26x32x32xf32, #tpu.memory_space<vmem>>, vector<16xf32>,
        %add3A_826 = arith.addf %add3A_812, %get3A_825 : vector<16xf32>
        %get3A_827 = arith.constant 17 : i32
        %get3A_828 = arith.index_cast %rem3A_556 : i32 to index
        %get3A_829 = arith.index_cast %get3A_827 : i32 to index
        %get3A_830 = arith.index_cast %scan3A_584 : i32 to index
        %get3A_831 = arith.constant 16 : index
        %get3A_832 = tpu.vector_load %arg6[%get3A_828, %get3A_829, %get3A_830, %get3A_831] {strides = array<i32>} : memref<2x26x32x32xf32, #tpu.memory_space<vmem>>, vector<16xf32>,
        %add3A_833 = arith.addf %add3A_819, %get3A_832 : vector<16xf32>
        %get3A_834 = arith.constant 18 : i32
        %get3A_835 = arith.index_cast %rem3A_556 : i32 to index
        %get3A_836 = arith.index_cast %get3A_834 : i32 to index
        %get3A_837 = arith.index_cast %scan3A_584 : i32 to index
        %get3A_838 = arith.constant 0 : index
        %get3A_839 = tpu.vector_load %arg6[%get3A_835, %get3A_836, %get3A_837, %get3A_838] {strides = array<i32>} : memref<2x26x32x32xf32, #tpu.memory_space<vmem>>, vector<16xf32>,
        %add3A_840 = arith.addf %add3A_826, %get3A_839 : vector<16xf32>
        %get3A_841 = arith.constant 18 : i32
        %get3A_842 = arith.index_cast %rem3A_556 : i32 to index
        %get3A_843 = arith.index_cast %get3A_841 : i32 to index
        %get3A_844 = arith.index_cast %scan3A_584 : i32 to index
        %get3A_845 = arith.constant 16 : index
        %get3A_846 = tpu.vector_load %arg6[%get3A_842, %get3A_843, %get3A_844, %get3A_845] {strides = array<i32>} : memref<2x26x32x32xf32, #tpu.memory_space<vmem>>, vector<16xf32>,
        %add3A_847 = arith.addf %add3A_833, %get3A_846 : vector<16xf32>
        %get3A_848 = arith.constant 19 : i32
        %get3A_849 = arith.index_cast %rem3A_556 : i32 to index
        %get3A_850 = arith.index_cast %get3A_848 : i32 to index
        %get3A_851 = arith.index_cast %scan3A_584 : i32 to index
        %get3A_852 = arith.constant 0 : index
        %get3A_853 = tpu.vector_load %arg6[%get3A_849, %get3A_850, %get3A_851, %get3A_852] {strides = array<i32>} : memref<2x26x32x32xf32, #tpu.memory_space<vmem>>, vector<16xf32>,
        %add3A_854 = arith.addf %add3A_840, %get3A_853 : vector<16xf32>
        %get3A_855 = arith.constant 19 : i32
        %get3A_856 = arith.index_cast %rem3A_556 : i32 to index
        %get3A_857 = arith.index_cast %get3A_855 : i32 to index
        %get3A_858 = arith.index_cast %scan3A_584 : i32 to index
        %get3A_859 = arith.constant 16 : index
        %get3A_860 = tpu.vector_load %arg6[%get3A_856, %get3A_857, %get3A_858, %get3A_859] {strides = array<i32>} : memref<2x26x32x32xf32, #tpu.memory_space<vmem>>, vector<16xf32>,
        %add3A_861 = arith.addf %add3A_847, %get3A_860 : vector<16xf32>
        %get3A_862 = arith.constant 20 : i32
        %get3A_863 = arith.index_cast %rem3A_556 : i32 to index
        %get3A_864 = arith.index_cast %get3A_862 : i32 to index
        %get3A_865 = arith.index_cast %scan3A_584 : i32 to index
        %get3A_866 = arith.constant 0 : index
        %get3A_867 = tpu.vector_load %arg6[%get3A_863, %get3A_864, %get3A_865, %get3A_866] {strides = array<i32>} : memref<2x26x32x32xf32, #tpu.memory_space<vmem>>, vector<16xf32>,
        %add3A_868 = arith.addf %add3A_854, %get3A_867 : vector<16xf32>
        %get3A_869 = arith.constant 20 : i32
        %get3A_870 = arith.index_cast %rem3A_556 : i32 to index
        %get3A_871 = arith.index_cast %get3A_869 : i32 to index
        %get3A_872 = arith.index_cast %scan3A_584 : i32 to index
        %get3A_873 = arith.constant 16 : index
        %get3A_874 = tpu.vector_load %arg6[%get3A_870, %get3A_871, %get3A_872, %get3A_873] {strides = array<i32>} : memref<2x26x32x32xf32, #tpu.memory_space<vmem>>, vector<16xf32>,
        %add3A_875 = arith.addf %add3A_861, %get3A_874 : vector<16xf32>
        %get3A_876 = arith.constant 21 : i32
        %get3A_877 = arith.index_cast %rem3A_556 : i32 to index
        %get3A_878 = arith.index_cast %get3A_876 : i32 to index
        %get3A_879 = arith.index_cast %scan3A_584 : i32 to index
        %get3A_880 = arith.constant 0 : index
        %get3A_881 = tpu.vector_load %arg6[%get3A_877, %get3A_878, %get3A_879, %get3A_880] {strides = array<i32>} : memref<2x26x32x32xf32, #tpu.memory_space<vmem>>, vector<16xf32>,
        %add3A_882 = arith.addf %add3A_868, %get3A_881 : vector<16xf32>
        %get3A_883 = arith.constant 21 : i32
        %get3A_884 = arith.index_cast %rem3A_556 : i32 to index
        %get3A_885 = arith.index_cast %get3A_883 : i32 to index
        %get3A_886 = arith.index_cast %scan3A_584 : i32 to index
        %get3A_887 = arith.constant 16 : index
        %get3A_888 = tpu.vector_load %arg6[%get3A_884, %get3A_885, %get3A_886, %get3A_887] {strides = array<i32>} : memref<2x26x32x32xf32, #tpu.memory_space<vmem>>, vector<16xf32>,
        %add3A_889 = arith.addf %add3A_875, %get3A_888 : vector<16xf32>
        %get3A_890 = arith.constant 22 : i32
        %get3A_891 = arith.index_cast %rem3A_556 : i32 to index
        %get3A_892 = arith.index_cast %get3A_890 : i32 to index
        %get3A_893 = arith.index_cast %scan3A_584 : i32 to index
        %get3A_894 = arith.constant 0 : index
        %get3A_895 = tpu.vector_load %arg6[%get3A_891, %get3A_892, %get3A_893, %get3A_894] {strides = array<i32>} : memref<2x26x32x32xf32, #tpu.memory_space<vmem>>, vector<16xf32>,
        %add3A_896 = arith.addf %add3A_882, %get3A_895 : vector<16xf32>
        %get3A_897 = arith.constant 22 : i32
        %get3A_898 = arith.index_cast %rem3A_556 : i32 to index
        %get3A_899 = arith.index_cast %get3A_897 : i32 to index
        %get3A_900 = arith.index_cast %scan3A_584 : i32 to index
        %get3A_901 = arith.constant 16 : index
        %get3A_902 = tpu.vector_load %arg6[%get3A_898, %get3A_899, %get3A_900, %get3A_901] {strides = array<i32>} : memref<2x26x32x32xf32, #tpu.memory_space<vmem>>, vector<16xf32>,
        %add3A_903 = arith.addf %add3A_889, %get3A_902 : vector<16xf32>
        %get3A_904 = arith.constant 23 : i32
        %get3A_905 = arith.index_cast %rem3A_556 : i32 to index
        %get3A_906 = arith.index_cast %get3A_904 : i32 to index
        %get3A_907 = arith.index_cast %scan3A_584 : i32 to index
        %get3A_908 = arith.constant 0 : index
        %get3A_909 = tpu.vector_load %arg6[%get3A_905, %get3A_906, %get3A_907, %get3A_908] {strides = array<i32>} : memref<2x26x32x32xf32, #tpu.memory_space<vmem>>, vector<16xf32>,
        %add3A_910 = arith.addf %add3A_896, %get3A_909 : vector<16xf32>
        %get3A_911 = arith.constant 23 : i32
        %get3A_912 = arith.index_cast %rem3A_556 : i32 to index
        %get3A_913 = arith.index_cast %get3A_911 : i32 to index
        %get3A_914 = arith.index_cast %scan3A_584 : i32 to index
        %get3A_915 = arith.constant 16 : index
        %get3A_916 = tpu.vector_load %arg6[%get3A_912, %get3A_913, %get3A_914, %get3A_915] {strides = array<i32>} : memref<2x26x32x32xf32, #tpu.memory_space<vmem>>, vector<16xf32>,
        %add3A_917 = arith.addf %add3A_903, %get3A_916 : vector<16xf32>
        %get3A_918 = arith.constant 24 : i32
        %get3A_919 = arith.index_cast %rem3A_556 : i32 to index
        %get3A_920 = arith.index_cast %get3A_918 : i32 to index
        %get3A_921 = arith.index_cast %scan3A_584 : i32 to index
        %get3A_922 = arith.constant 0 : index
        %get3A_923 = tpu.vector_load %arg6[%get3A_919, %get3A_920, %get3A_921, %get3A_922] {strides = array<i32>} : memref<2x26x32x32xf32, #tpu.memory_space<vmem>>, vector<16xf32>,
        %add3A_924 = arith.addf %add3A_910, %get3A_923 : vector<16xf32>
        %get3A_925 = arith.constant 24 : i32
        %get3A_926 = arith.index_cast %rem3A_556 : i32 to index
        %get3A_927 = arith.index_cast %get3A_925 : i32 to index
        %get3A_928 = arith.index_cast %scan3A_584 : i32 to index
        %get3A_929 = arith.constant 16 : index
        %get3A_930 = tpu.vector_load %arg6[%get3A_926, %get3A_927, %get3A_928, %get3A_929] {strides = array<i32>} : memref<2x26x32x32xf32, #tpu.memory_space<vmem>>, vector<16xf32>,
        %add3A_931 = arith.addf %add3A_917, %get3A_930 : vector<16xf32>
        %get3A_932 = arith.constant 25 : i32
        %get3A_933 = arith.index_cast %rem3A_556 : i32 to index
        %get3A_934 = arith.index_cast %get3A_932 : i32 to index
        %get3A_935 = arith.index_cast %scan3A_584 : i32 to index
        %get3A_936 = arith.constant 0 : index
        %get3A_937 = tpu.vector_load %arg6[%get3A_933, %get3A_934, %get3A_935, %get3A_936] {strides = array<i32>} : memref<2x26x32x32xf32, #tpu.memory_space<vmem>>, vector<16xf32>,
        %add3A_938 = arith.addf %add3A_924, %get3A_937 : vector<16xf32>
        %get3A_939 = arith.constant 25 : i32
        %get3A_940 = arith.index_cast %rem3A_556 : i32 to index
        %get3A_941 = arith.index_cast %get3A_939 : i32 to index
        %get3A_942 = arith.index_cast %scan3A_584 : i32 to index
        %get3A_943 = arith.constant 16 : index
        %get3A_944 = tpu.vector_load %arg6[%get3A_940, %get3A_941, %get3A_942, %get3A_943] {strides = array<i32>} : memref<2x26x32x32xf32, #tpu.memory_space<vmem>>, vector<16xf32>,
        %add3A_945 = arith.addf %add3A_931, %get3A_944 : vector<16xf32>
        %mul3A_946 = arith.constant 32 : i32
        %mul3A_947 = arith.muli %scan3A_554, %mul3A_946 : i32
        %add3A_948 = arith.addi %mul3A_947, %scan3A_584 : i32
        %swap3A = arith.index_cast %add3A_948 : i32 to index
        %swap3A_949 = arith.constant 0 : index
        %swap3A_950 = tpu.vector_load %arg7[%swap3A, %swap3A_949] {strides = array<i32>} : memref<512x32xf32, #tpu.memory_space<vmem>>, vector<16xf32>,
        tpu.vector_store %arg7[%swap3A, %swap3A_949], %add3A_938 {strides = array<i32>} : memref<512x32xf32, #tpu.memory_space<vmem>>, vector<16xf32>,
        %mul3A_951 = arith.constant 32 : i32
        %mul3A_952 = arith.muli %scan3A_554, %mul3A_951 : i32
        %add3A_953 = arith.addi %mul3A_952, %scan3A_584 : i32
        %swap3A_954 = arith.index_cast %add3A_953 : i32 to index
        %swap3A_955 = arith.constant 16 : index
        %swap3A_956 = tpu.vector_load %arg7[%swap3A_954, %swap3A_955] {strides = array<i32>} : memref<512x32xf32, #tpu.memory_space<vmem>>, vector<16xf32>,
        tpu.vector_store %arg7[%swap3A_954, %swap3A_955], %add3A_945 {strides = array<i32>} : memref<512x32xf32, #tpu.memory_space<vmem>>, vector<16xf32>,
      }
      %scan3A_583 = arith.constant 32 : i32
    }
    %scan3A_553 = arith.constant 16 : i32
    "tpu.region"() ({
      %run_scoped3A = tpu.sem_alloc : memref<!tpu.dma_semaphore, #tpu.memory_space<semaphore_mem>>
      %dma_start3A_554 = arith.constant 0 : i32
      %dma_start3A_555 = tpu.memref_slice %arg4[%mul3A_2, %dma_start3A_554] : memref<16384x32xf32, #tpu.memory_space<hbm>> -> memref<512x32xf32, #tpu.memory_space<hbm>>
      %dma_start3A_556 = arith.constant 0 : i32
      %dma_start3A_557 = tpu.memref_slice %arg4[%mul3A_2, %dma_start3A_556] : memref<16384x32xf32, #tpu.memory_space<hbm>> -> memref<512x32xf32, #tpu.memory_space<hbm>>
      tpu.enqueue_dma source(%arg7 : memref<512x32xf32, #tpu.memory_space<vmem>>) target(%dma_start3A_557 : memref<512x32xf32, #tpu.memory_space<hbm>>) target_semaphore(%run_scoped3A : memref<!tpu.dma_semaphore, #tpu.memory_space<semaphore_mem>>)
      %dma_wait3A = arith.constant 0 : i32
      %dma_wait3A_558 = tpu.memref_slice %arg4[%mul3A_2, %dma_wait3A] : memref<16384x32xf32, #tpu.memory_space<hbm>> -> memref<512x32xf32, #tpu.memory_space<hbm>>
      %dma_wait3A_559 = arith.constant 0 : i32
      %dma_wait3A_560 = tpu.memref_slice %arg4[%mul3A_2, %dma_wait3A_559] : memref<16384x32xf32, #tpu.memory_space<hbm>> -> memref<512x32xf32, #tpu.memory_space<hbm>>
      tpu.wait_dma2 semaphore(%run_scoped3A : memref<!tpu.dma_semaphore, #tpu.memory_space<semaphore_mem>>) src(%arg7 : memref<512x32xf32, #tpu.memory_space<vmem>>) dst(%dma_wait3A_560 : memref<512x32xf32, #tpu.memory_space<hbm>>)
      tpu.yield
    }) : () -> ()
    return
  }
}

</mosaic_0001>

<sc_bundles>
// kernel: _sc_lookup.3.cloned.1.call-start
scs
__scs_entry_jumppad:
0x0: {  	(pc) =	sbr.rel $0x88, $3  }
0x1: {  	(tag) =	ssettag $0x0;
	lr =	simm.s32 $0x1  }
0x2: {  	[smem:$0x3F9F] =	sst lr;
	_ =	strace $0xD0000000  }
0x3: {  	_ = 	snop  }
0x4: {  	_ = 	snop  }
0x5: {  	_ = 	snop  }
0x6: {  	_ = 	snop  }
0x7: {  	_ = 	snop  }
__scs_overlays_trampoline_lowered:
0x8: {  	[smem:$0x3FAE] =	sst s0  }
0x9: {  	[smem:$0x3FAF] =	sst s1  }
0xa: {  	[smem:$0x3FB0] =	sst s2  }
0xb: {  	[smem:$0x3FB1] =	sst s3  }
0xc: {  	[smem:$0x3FB2] =	sst s4  }
0xd: {  	[smem:$0x3FB3] =	sst s5  }
0xe: {  	[smem:$0x3FB4] =	sst s6  }
0xf: {  	[smem:$0x3FB5] =	sst s7  }
0x10: {  	[smem:$0x3FB6] =	sst s8  }
0x11: {  	[smem:$0x3FB7] =	sst s9;
	s0 =	simm.s32 @!p0 $0x0  }
0x12: {  	s1 =	sld [smem:$0x3F9D];
	s0 =	simm.s32 @p0 $0x1  }
0x13: {  	[smem:$0x3FB8] =	sst s0;
	s0 =	simm.s32 @!p1 $0x0  }
0x14: {  	s2 =	sld [smem:$0x3F9C];
	s0 =	simm.s32 @p1 $0x1  }
0x15: {  	[smem:$0x3FB9] =	sst s0;
	s0 =	simm.s32 @!p2 $0x0  }
0x16: {  	s3 =	sld [smem:$0x3FDB];
	s0 =	simm.s32 @p2 $0x1  }
0x17: {  	s4 =	simm.s32 $0x1BF5;
	[smem:$0x3FBB] =	sst s0  }
0x18: {  	s0 =	sld [smem:$0x3F9E];
	_ =	swait.ge [sflag:s4], $0x0  }
0x19: {  	s7 =	sld [smem:$0x3F9F]  }
0x1a: {  	s8 =	sadd.s32 $0xFFFFE003, lr  }
0x1b: {  	s9 =	sadd.s32 $0xFFFFFEF7, lr;
	s5 =	simm.s32 $0xFFFFFFFF;
	p2 =	slt.u32 s8, $0xFFFFF086  }
0x1c: {  	p1 =	slt.u32 s9, $0xF7A;
	s5 =	simm.s32 @!p2 $0x0  }
0x1d: {  	s5 =	simm.s32 @p1 $0x1;
	p0 =	seq.s32 s7, s2  }
0x1e: {  	s7 =	smul.u32 @!p0 $0xF7A, s2;
	p2 =	seq.s32 @!p0 s5, $0x0  }
0x1f: {  	s9 =	smul.u32 $0xF7A, s1;
	s8 =	simm.s32 @!p0 $0x1BF5;
	p2 =	por !p2, p0  }
0x20: {  	[sflag:s8] =	ssyncset.s32 @!p0 $0xFFFFF086;
	s6 =	sadd.s32 @!p0 s3, s7;
	s7 =	simm.s32 @!p0 $0x108  }
0x21: {  	s3 =	sadd.s32 s3, s9;
	s6 =	sadd.s32 @!p0 $0x88, s6;
	s7 =	simm.s32 @p2 $0x1082  }
0x22: {  	[simem:s7], [sflag:s8] =	dma.local @!p0 [hbm:s6], $0xF7A  }
0x23: {  	s9 =	sor.u32 $0xD0000000, s2;
	s6 =	simm.s32 $0x108;
	_ =	swait.ge @!p0 [sflag:s8], $0x0  }
0x24: {  	s3 =	sadd.s32 $0x88, s3;
	s6 =	simm.s32 @!p1 $0x1082;
	[sflag:s4] =	ssyncset.s32 $0xFFFFF086  }
0x25: {  	[simem:s6], [sflag:s4] =	dma.local [hbm:s3], $0xF7A  }
0x26: {  	[smem:$0x3F9F] =	sst s1;
	(tag) =	ssettag s2;
	_ =	strace s9  }
0x27: {  	s1 =	sld [smem:$0x3FAF]  }
0x28: {  	s2 =	sld [smem:$0x3FB0]  }
0x29: {  	s4 =	sld [smem:$0x3FB2]  }
0x2a: {  	p0 =	seq.s32 s5, $0x0;
	s5 =	sld [smem:$0x3FB3]  }
0x2b: {  	s6 =	sld [smem:$0x3FB4]  }
0x2c: {  	s7 =	sld [smem:$0x3FB5]  }
0x2d: {  	s3 =	simm.s32 $0x108;
	s8 =	sld [smem:$0x3FB6]  }
0x2e: {  	s3 =	simm.s32 @!p0 $0x1082;
	s9 =	sld [smem:$0x3FB7]  }
0x2f: {  	lr =	sadd.s32 s0, s3;
	s0 =	sld [smem:$0x3FAE]  }
0x30: {  	s3 =	sld [smem:$0x3FB1]  }
0x31: {  	[smem:$0x3FBA] =	sst s10  }
0x32: {  	s10 =	sld [smem:$0x3FB8];
	_ =	sdelay $0x3  }
0x33: {  	p0 =	seq.s32 s10, $0x1;
	s10 =	sld [smem:$0x3FBA];
	_ =	sdelay $0x3  }
0x34: {  	[smem:$0x3FBA] =	sst s10  }
0x35: {  	s10 =	sld [smem:$0x3FB9];
	_ =	sdelay $0x3  }
0x36: {  	p1 =	seq.s32 s10, $0x1;
	s10 =	sld [smem:$0x3FBA];
	_ =	sdelay $0x3  }
0x37: {  	[smem:$0x3FBA] =	sst s10  }
0x38: {  	s10 =	sld [smem:$0x3FBB]  }
0x39: {  	_ = 	snop;
	(pc) =	sbr.ind lr, $3  }
0x3a: {  	_ = 	snop  }
0x3b: {  	_ = 	snop  }
0x3c: {  	p2 =	seq.s32 s10, $0x1;
	s10 =	sld [smem:$0x3FBA]  }
0x3d: {  	_ =	shalt  }
0x3e: {  	_ =	shalt  }
0x3f: {  	_ =	shalt  }
0x40: {  	_ =	shalt  }
0x41: {  	_ =	shalt  }
0x42: {  	_ =	shalt  }
0x43: {  	_ =	shalt  }
0x44: {  	_ =	shalt  }
0x45: {  	_ =	shalt  }
0x46: {  	_ =	shalt  }
0x47: {  	_ =	shalt  }
0x48: {  	_ =	shalt  }
0x49: {  	_ =	shalt  }
0x4a: {  	_ =	shalt  }
0x4b: {  	_ =	shalt  }
0x4c: {  	_ =	shalt  }
0x4d: {  	_ =	shalt  }
0x4e: {  	_ =	shalt  }
0x4f: {  	_ =	shalt  }
0x50: {  	_ =	shalt  }
0x51: {  	_ =	shalt  }
0x52: {  	_ =	shalt  }
0x53: {  	_ =	shalt  }
0x54: {  	_ =	shalt  }
0x55: {  	_ =	shalt  }
0x56: {  	_ =	shalt  }
0x57: {  	_ =	shalt  }
0x58: {  	_ =	shalt  }
0x59: {  	_ =	shalt  }
0x5a: {  	_ =	shalt  }
0x5b: {  	_ =	shalt  }
0x5c: {  	_ =	shalt  }
0x5d: {  	_ =	shalt  }
0x5e: {  	_ =	shalt  }
0x5f: {  	_ =	shalt  }
0x60: {  	_ =	shalt  }
0x61: {  	_ =	shalt  }
0x62: {  	_ =	shalt  }
0x63: {  	_ =	shalt  }
0x64: {  	_ =	shalt  }
0x65: {  	_ =	shalt  }
0x66: {  	_ =	shalt  }
0x67: {  	_ =	shalt  }
0x68: {  	_ =	shalt  }
0x69: {  	_ =	shalt  }
0x6a: {  	_ =	shalt  }
0x6b: {  	_ =	shalt  }
0x6c: {  	_ =	shalt  }
0x6d: {  	_ =	shalt  }
0x6e: {  	_ =	shalt  }
0x6f: {  	_ =	shalt  }
0x70: {  	_ =	shalt  }
0x71: {  	_ =	shalt  }
0x72: {  	_ =	shalt  }
0x73: {  	_ =	shalt  }
0x74: {  	_ =	shalt  }
0x75: {  	_ =	shalt  }
0x76: {  	_ =	shalt  }
0x77: {  	_ =	shalt  }
0x78: {  	_ =	shalt  }
0x79: {  	_ =	shalt  }
0x7a: {  	_ =	shalt  }
0x7b: {  	_ =	shalt  }
0x7c: {  	_ =	shalt  }
0x7d: {  	_ =	shalt  }
0x7e: {  	_ =	shalt  }
0x7f: {  	_ =	shalt  }
0x80: {  	_ =	shalt  }
0x81: {  	_ =	shalt  }
0x82: {  	_ =	shalt  }
0x83: {  	_ =	shalt  }
0x84: {  	_ =	shalt  }
0x85: {  	_ =	shalt  }
0x86: {  	_ =	shalt  }
0x87: {  	_ =	shalt  }
.Lfunc_end0:
.L_simem_size_0:
called_computation_lowered:
.L_overlay_start_0:
0x88: {  	s2 =	sld [smem:$0x3FD9]  }
0x89: {  	s3 =	sld [smem:$0x3FFE];
	_ =	sdelay $0x1  }
0x8a: {  	s1 =	srdreg.scid  }
0x8b: {  	s0 =	sand.u32 $0x1, s1  }
0x8c: {  	s17 =	sshll.u32 s0, $0xA;
	s2 =	sadd.s32 s3, s2  }
0x8d: {  	s2 =	sadd.s32 s2, s17  }
0x8e: {  	[smem:$0x3FC6] =	sst s2  }
0x8f: {  	_ = 	snop  }
0x90: {  	s2 =	sld [smem:$0x3FD0];
	(tm) =	ssettm $0x1  }
0x91: {  	s18 =	sld [smem:$0x3FFB];
	_ =	sdelay $0x3  }
0x92: {  	_ =	strace s18  }
0x93: {  	s3 =	sld [smem:$0x3FFC];
	_ =	sdelay $0x3  }
0x94: {  	_ =	strace s3  }
0x95: {  	s3 =	sld [smem:$0x3FFD];
	_ =	sdelay $0x3  }
0x96: {  	_ =	strace s3  }
0x97: {  	_ =	strace $0x8FFFFFFF  }
0x98: {  	s19 =	sld [smem:$0x3FDB];
	_ =	sdelay $0x1  }
0x99: {  	s4 =	simm.s32 $_scs_section_size  }
0x9a: {  	s5 =	simm.s32 $_size__tile_overlayer_lowered;
	s6 =	simm.s32 $_tile_overlayer_lowered  }
0x9b: {  	s22 =	simm.s32 $0x1BFF;
	s21 =	sshll.u32 s6, $0x1;
	s3 =	sadd.s32 s4, s19  }
0x9c: {  	s7 =	simm.s32 $0x0;
	s20 =	sshll.u32 s5, $0x1;
	s5 =	sadd.s32 s21, s3  }
0x9d: {  	[timem:s7], [sflag:s22] =	dma.local [hbm:s5], s20  }
0x9e: {  	_ =	swait.ge [sflag:s22], s20  }
0x9f: {  	s4 =	ssub.s32 $0x0, s20;
	[sflag:s22] =	ssyncset.done $0x0  }
0xa0: {  	[sflag:s22] =	ssyncadd.s32 s4;
	_ =	sdelay $0x1  }
0xa1: {  	s23 =	simm.s32 $0x1B8B  }
0xa2: {  	_ =	swait.ge [sflag:s23], $0x1  }
0xa3: {  	[sflag:s23] =	ssyncset.done $0x0  }
0xa4: {  	s25 =	simm.s32 $0x1B8E;
	s24 =	sld [smem:$0x3FFE];
	[sflag:s23] =	ssyncadd.s32 $0xFFFFFFFF  }
0xa5: {  	s26 =	simm.s32 $execute0_lowered;
	[smem:$0x3FD2] =	sst s25  }
0xa6: {  	s5 =	sshll.u32 s26, $0x1;
	_ =	strace $0x80000046;
	[dreg:$0x1] =	wrdreg $0xFFFFFFFF  }
0xa7: {  	s28 =	simm.s32 $_size_execute0_lowered;
	s3 =	sadd.s32 s3, s5;
	[dreg:$0x0] =	wrdreg $0x0  }
0xa8: {  	s5 =	sshll.u32 s28, $0x1;
	[dreg:$0x2] =	wrdreg s3  }
0xa9: {  	[dreg:$0x3] =	wrdreg s5  }
0xaa: {  	[dreg:$0x4] =	wrdreg $0xC0  }
0xab: {  	_ =	task [dreg:s7], $0x5FFFF  }
0xac: {  	[dreg:$0x1] =	wrdreg $0xFFFFFFFF  }
0xad: {  	[dreg:$0x0] =	wrdreg $0x60  }
0xae: {  	[dreg:$0x2] =	wrdreg s24  }
0xaf: {  	[dreg:$0x3] =	wrdreg s2  }
0xb0: {  	[dreg:$0x4] =	wrdreg $0x9  }
0xb1: {  	_ =	task.clear_ibuf [dreg:s7], $0x5FFFF;
	_ =	strace $0x90000046  }
0xb2: {  	s29 =	simm.s32 $0x9;
	_ =	strace $0x80000048  }
0xb3: {  	_ =	swait.ge [sflag:s29], $0x1  }
0xb4: {  	[sflag:s29] =	ssyncadd.s32 $0xFFFFFFFF  }
0xb5: {  	_ =	strace $0x90000048  }
0xb6: {  	_ =	sfence  }
0xb7: {  	s30 =	sld [smem:$0x0];
	_ =	sdelay $0x2  }
0xb8: {  	s31 =	sshll.u32 s1, $0xD;
	s1 =	sshrl.u32 s1, $0x2  }
0xb9: {  	s3 =	sand.u32 $0x4000, s31;
	s1 =	sadd.s32 s1, s30  }
0xba: {  	s0 =	sor.u32 s3, s0;
	s1 =	sshll.u32 s1, $0x11  }
0xbb: {  	s0 =	sor.u32 s1, s0  }
0xbc: {  	s0 =	sadd.s32 $0x8F2B, s0  }
0xbd: {  	[sflag:s0] =	ssyncadd.remote.s32 $0x1  }
0xbe: {  	_ =	sfence.sel $0xFFFF  }
0xbf: {  	[dreg:$0x0] =	wrdreg $0xFFFFFFFF;
	(pc) =	sbr.abs _section_cstart, $3  }
0xc0: {  	[dreg:$0x1] =	wrdreg $0xFFFFFFFF  }
0xc1: {  	_ =	task.clear_ibuf [dreg:s7], $0x2FFFF;
	_ =	strace $0x9FFFFFFF  }
0xc2: {  	(tm) =	ssettm $0x7FFFFFFF  }
0xc3: {  	_ =	shalt  }
tec
execute0_lowered:
.L_overlay_start_1:
0x0: {  	(tag) =	ssettag $0x1  }
0x1: {  	s0 =	rddreg [dreg:$0x0];
	s2 =	simm.s32 $0x0  }
0x2: {  	[smem:$0x7FF] =	sst s2;
	s25 =	sadd.s32 $0x27ACA00, s0  }
0x3: {  	s26 =	sadd.s32 $0x280E480, s0;
	s3 =	sadd.s32 $0x286FF00, s0  }
0x4: {  	s5 =	sadd.s32 $0x2933400, s0;
	s8 =	sadd.s32 $0x2994E80, s0  }
0x5: {  	s9 =	sadd.s32 $0x29F6900, s0;
	s10 =	sadd.s32 $0x2A58380, s0  }
0x6: {  	s1 =	rddreg [dreg:$0x1];
	s11 =	sadd.s32 $0x2AB9E00, s0;
	s12 =	sadd.s32 $0x2B1B880, s0  }
0x7: {  	s4 =	srdreg.scid;
	s13 =	sadd.s32 $0x2B7D300, s0;
	s14 =	sadd.s32 $0x2BDED80, s0  }
0x8: {  	s6 =	stileid.u32;
	s15 =	sadd.s32 $0x2C40800, s0;
	s16 =	sadd.s32 $0x2CA2280, s0  }
0x9: {  	s29 =	simm.s32 $0x1;
	s17 =	sadd.s32 $0x2D03D00, s0;
	s18 =	sadd.s32 $0x2D65780, s0  }
0xa: {  	s2 =	sand.u32 $0x1, s4;
	s19 =	sadd.s32 $0x2DC7200, s0;
	s21 =	sadd.s32 $0x2E28C80, s0  }
0xb: {  	s22 =	sadd.s32 $0x2E8A700, s0;
	_ =	strace $0x80000047;
	[dreg:$0x3] =	wrdreg s25  }
0xc: {  	s23 =	sadd.s32 $0x2EEC180, s0;
	s24 =	sadd.s32 $0x2F4DC00, s0;
	[dreg:$0x4] =	wrdreg s26  }
0xd: {  	s28 =	sadd.s32 $0x3072B80, s0;
	s30 =	sadd.s32 $0x30D4600, s0;
	[dreg:$0x5] =	wrdreg s3  }
0xe: {  	s31 =	sadd.s32 $0x3136080, s0;
	s3 =	sadd.s32 $0x28D1980, s0;
	[dreg:$0x7] =	wrdreg s5  }
0xf: {  	s25 =	sadd.s32 $0x2FAF680, s0;
	[dreg:$0x6] =	wrdreg s3;
	s3 =	sshll.u32 s6, $0x1  }
0x10: {  	s26 =	sadd.s32 $0x3011100, s0;
	s3 =	sor.u32 s2, s3;
	s2 =	ssub.s32 $0x2, s2  }
0x11: {  	s4 =	sshll.u32 s3, $0x6;
	s3 =	sshll.u32 s3, $0xB;
	s7 =	sshrl.u32 s2, $0x1  }
0x12: {  	s4 =	sadd.s32 s4, s0;
	s2 =	ssub.s32 s2, s7;
	s1 =	sadd.s32 s1, s3  }
0x13: {  	s0 =	simm.s32 $0x0;
	s4 =	sadd.s32 $0x600, s4;
	[dreg:$0x9] =	wrdreg s1  }
0x14: {  	s20 =	smax.u32 s2, $0x1;
	s2 =	simm.s32 $0x0;
	[dreg:$0x8] =	wrdreg s4  }
0x15: {  	[dreg:$0xa] =	wrdreg s20;
	s4 =	simm.s32 $0x2;
	s20 =	simm.s32 $0x20  }
.LBB2_1:
0x16: {  	[dreg:$0xb] =	wrdreg s2  }
0x17: {  	s1 =	rddreg [dreg:$0x8];
	s5 =	simm.s32 $0x200;
	s3 =	simm.s32 $0x4000  }
0x18: {  	[tilespmem:s0], [sflag:$0x2] =	stream.strided.gather [hbm4b:s1+s5], $0x3400, s3, s5, $0x38;
	[tilespmem:$0x14400] =	vst v63  }
0x19: {  	_ =	swait.ge [sflag:s4], $0x3400  }
0x1a: {  	[sflag:s4] =	ssyncset.done $0x0  }
0x1b: {  	s7 =	simm.s32 $0x3400;
	s6 =	rddreg [dreg:$0x3];
	[sflag:s4] =	ssyncadd.s32 $0xFFFFCC00  }
0x1c: {  	[tilespmem:s7], [sflag:$0x1] =	stream.indirect.gather [hbm4b:s6+s20], $0x20, s0, s20, $0xb8;
	[tilespmem:$0x14400] =	vst v63  }
0x1d: {  	s1 =	rddreg [dreg:$0x4];
	s4 =	simm.s32 $0x3800  }
0x1e: {  	[tilespmem:s4], [sflag:$0x1] =	stream.indirect.gather [hbm4b:s1+s20], $0x20, s5, s20, $0xb8;
	[tilespmem:$0x14400] =	vst v63  }
0x1f: {  	s6 =	simm.s32 $0x400;
	s7 =	simm.s32 $0x3C00;
	s5 =	rddreg [dreg:$0x5]  }
0x20: {  	[tilespmem:s7], [sflag:$0x1] =	stream.indirect.gather [hbm4b:s5+s20], $0x20, s6, s20, $0xb8;
	[tilespmem:$0x14400] =	vst v63  }
0x21: {  	s2 =	rddreg [dreg:$0x6];
	s4 =	simm.s32 $0x600  }
0x22: {  	[tilespmem:s3], [sflag:$0x1] =	stream.indirect.gather [hbm4b:s2+s20], $0x20, s4, s20, $0xb8;
	[tilespmem:$0x14400] =	vst v63  }
0x23: {  	s5 =	rddreg [dreg:$0x7];
	s6 =	simm.s32 $0x800;
	s7 =	simm.s32 $0x4400  }
0x24: {  	[tilespmem:s7], [sflag:$0x1] =	stream.indirect.gather [hbm4b:s5+s20], $0x20, s6, s20, $0xb8;
	[tilespmem:$0x14400] =	vst v63  }
0x25: {  	s2 =	simm.s32 $0xA00;
	s3 =	simm.s32 $0x4800  }
0x26: {  	[tilespmem:s3], [sflag:$0x1] =	stream.indirect.gather [hbm4b:s8+s20], $0x20, s2, s20, $0xb8;
	[tilespmem:$0x14400] =	vst v63  }
0x27: {  	s4 =	simm.s32 $0xC00;
	s5 =	simm.s32 $0x4C00  }
0x28: {  	[tilespmem:s5], [sflag:$0x1] =	stream.indirect.gather [hbm4b:s9+s20], $0x20, s4, s20, $0xb8;
	[tilespmem:$0x14400] =	vst v63  }
0x29: {  	s6 =	simm.s32 $0xE00;
	s7 =	simm.s32 $0x5000  }
0x2a: {  	[tilespmem:s7], [sflag:$0x1] =	stream.indirect.gather [hbm4b:s10+s20], $0x20, s6, s20, $0xb8;
	[tilespmem:$0x14400] =	vst v63  }
0x2b: {  	s2 =	simm.s32 $0x1000;
	s3 =	simm.s32 $0x5400  }
0x2c: {  	[tilespmem:s3], [sflag:$0x1] =	stream.indirect.gather [hbm4b:s11+s20], $0x20, s2, s20, $0xb8;
	[tilespmem:$0x14400] =	vst v63  }
0x2d: {  	s4 =	simm.s32 $0x1200;
	s5 =	simm.s32 $0x5800  }
0x2e: {  	[tilespmem:s5], [sflag:$0x1] =	stream.indirect.gather [hbm4b:s12+s20], $0x20, s4, s20, $0xb8;
	[tilespmem:$0x14400] =	vst v63  }
0x2f: {  	s6 =	simm.s32 $0x1400;
	s7 =	simm.s32 $0x5C00  }
0x30: {  	[tilespmem:s7], [sflag:$0x1] =	stream.indirect.gather [hbm4b:s13+s20], $0x20, s6, s20, $0xb8;
	[tilespmem:$0x14400] =	vst v63  }
0x31: {  	s2 =	simm.s32 $0x1600;
	s3 =	simm.s32 $0x6000  }
0x32: {  	[tilespmem:s3], [sflag:$0x1] =	stream.indirect.gather [hbm4b:s14+s20], $0x20, s2, s20, $0xb8;
	[tilespmem:$0x14400] =	vst v63  }
0x33: {  	s4 =	simm.s32 $0x1800;
	s5 =	simm.s32 $0x6400  }
0x34: {  	[tilespmem:s5], [sflag:$0x1] =	stream.indirect.gather [hbm4b:s15+s20], $0x20, s4, s20, $0xb8;
	[tilespmem:$0x14400] =	vst v63  }
0x35: {  	s6 =	simm.s32 $0x1A00;
	s7 =	simm.s32 $0x6800  }
0x36: {  	[tilespmem:s7], [sflag:$0x1] =	stream.indirect.gather [hbm4b:s16+s20], $0x20, s6, s20, $0xb8;
	[tilespmem:$0x14400] =	vst v63  }
0x37: {  	s2 =	simm.s32 $0x1C00;
	s3 =	simm.s32 $0x6C00  }
0x38: {  	[tilespmem:s3], [sflag:$0x1] =	stream.indirect.gather [hbm4b:s17+s20], $0x20, s2, s20, $0xb8;
	[tilespmem:$0x14400] =	vst v63  }
0x39: {  	s4 =	simm.s32 $0x1E00;
	s5 =	simm.s32 $0x7000  }
0x3a: {  	[tilespmem:s5], [sflag:$0x1] =	stream.indirect.gather [hbm4b:s18+s20], $0x20, s4, s20, $0xb8;
	[tilespmem:$0x14400] =	vst v63  }
0x3b: {  	s6 =	simm.s32 $0x2000;
	s7 =	simm.s32 $0x7400  }
0x3c: {  	[tilespmem:s7], [sflag:$0x1] =	stream.indirect.gather [hbm4b:s19+s20], $0x20, s6, s20, $0xb8;
	[tilespmem:$0x14400] =	vst v63  }
0x3d: {  	s2 =	simm.s32 $0x2200;
	s3 =	simm.s32 $0x7800  }
0x3e: {  	[tilespmem:s3], [sflag:$0x1] =	stream.indirect.gather [hbm4b:s21+s20], $0x20, s2, s20, $0xb8;
	[tilespmem:$0x14400] =	vst v63  }
0x3f: {  	s4 =	simm.s32 $0x2400;
	s5 =	simm.s32 $0x7C00  }
0x40: {  	[tilespmem:s5], [sflag:$0x1] =	stream.indirect.gather [hbm4b:s22+s20], $0x20, s4, s20, $0xb8;
	[tilespmem:$0x14400] =	vst v63  }
0x41: {  	s6 =	simm.s32 $0x2600;
	s7 =	simm.s32 $0x8000  }
0x42: {  	[tilespmem:s7], [sflag:$0x1] =	stream.indirect.gather [hbm4b:s23+s20], $0x20, s6, s20, $0xb8;
	[tilespmem:$0x14400] =	vst v63  }
0x43: {  	s2 =	simm.s32 $0x2800;
	s3 =	simm.s32 $0x8400  }
0x44: {  	[tilespmem:s3], [sflag:$0x1] =	stream.indirect.gather [hbm4b:s24+s20], $0x20, s2, s20, $0xb8;
	[tilespmem:$0x14400] =	vst v63  }
0x45: {  	s4 =	simm.s32 $0x2A00;
	s5 =	simm.s32 $0x8800  }
0x46: {  	[tilespmem:s5], [sflag:$0x1] =	stream.indirect.gather [hbm4b:s25+s20], $0x20, s4, s20, $0xb8;
	[tilespmem:$0x14400] =	vst v63  }
0x47: {  	s6 =	simm.s32 $0x2C00;
	s7 =	simm.s32 $0x8C00  }
0x48: {  	[tilespmem:s7], [sflag:$0x1] =	stream.indirect.gather [hbm4b:s26+s20], $0x20, s6, s20, $0xb8;
	[tilespmem:$0x14400] =	vst v63  }
0x49: {  	s2 =	simm.s32 $0x2E00;
	s3 =	simm.s32 $0x9000  }
0x4a: {  	[tilespmem:s3], [sflag:$0x1] =	stream.indirect.gather [hbm4b:s28+s20], $0x20, s2, s20, $0xb8;
	[tilespmem:$0x14400] =	vst v63  }
0x4b: {  	s0 =	simm.s32 $0x0;
	s4 =	simm.s32 $0x3000;
	s5 =	simm.s32 $0x9400  }
0x4c: {  	[tilespmem:s5], [sflag:$0x1] =	stream.indirect.gather [hbm4b:s30+s20], $0x20, s4, s20, $0xb8;
	[tilespmem:$0x14400] =	vst v63  }
0x4d: {  	s1 =	simm.s32 $0x10410;
	s6 =	simm.s32 $0x3200;
	s7 =	simm.s32 $0x9800  }
0x4e: {  	[tilespmem:s7], [sflag:$0x1] =	stream.indirect.gather [hbm4b:s31+s20], $0x20, s6, s20, $0xb8;
	[tilespmem:$0x14400] =	vst v63  }
.LBB2_3:
0x4f: {  	p0 =	seq.s32 s0, $0xF  }
.Ltmp0:
0x50: {  	_ = 	snop;
	(pc) =	sbr.rel @p0 .LBB2_5-.Ltmp0, $4  }
0x51: {  	_ = 	snop  }
0x52: {  	_ =	swait.ge [sflag:s29], $0x6800  }
0x53: {  	[sflag:s29] =	ssyncset.done $0x0  }
0x54: {  	s4 =	sadd.s32 $0x1, s0;
	[sflag:s29] =	ssyncadd.s32 $0xFFFF9800  }
0x55: {  	s2 =	sand.u32 $0x1, s4  }
0x56: {  	p0 =	seq.s32 s2, $0x1;
	s2 =	simm.s32 $0x6800  }
0x57: {  	s3 =	sshll.u32 s4, $0x5;
	s2 =	simm.s32 @!p0 $0x0  }
0x58: {  	s6 =	rddreg [dreg:$0x3];
	s3 =	sand.u32 $0x3FFFFFE0, s3;
	s5 =	sadd.s32 $0x3400, s2  }
0x59: {  	[tilespmem:s5], [sflag:$0x1] =	stream.indirect.gather [hbm4b:s6+s20], $0x20, s3, s20, $0xb8;
	[tilespmem:$0x14400] =	vst v63  }
0x5a: {  	s7 =	rddreg [dreg:$0x4];
	s5 =	sadd.s32 $0x3800, s2;
	s6 =	sadd.s32 $0x200, s3  }
0x5b: {  	[tilespmem:s5], [sflag:$0x1] =	stream.indirect.gather [hbm4b:s7+s20], $0x20, s6, s20, $0xb8;
	[tilespmem:$0x14400] =	vst v63  }
0x5c: {  	s5 =	sadd.s32 $0x3C00, s2;
	s6 =	sadd.s32 $0x400, s3;
	s7 =	rddreg [dreg:$0x5]  }
0x5d: {  	[tilespmem:s5], [sflag:$0x1] =	stream.indirect.gather [hbm4b:s7+s20], $0x20, s6, s20, $0xb8;
	[tilespmem:$0x14400] =	vst v63  }
0x5e: {  	s5 =	sadd.s32 $0x4000, s2;
	s6 =	sadd.s32 $0x600, s3;
	s7 =	rddreg [dreg:$0x6]  }
0x5f: {  	[tilespmem:s5], [sflag:$0x1] =	stream.indirect.gather [hbm4b:s7+s20], $0x20, s6, s20, $0xb8;
	[tilespmem:$0x14400] =	vst v63  }
0x60: {  	s5 =	sadd.s32 $0x4400, s2;
	s6 =	sadd.s32 $0x800, s3;
	s7 =	rddreg [dreg:$0x7]  }
0x61: {  	[tilespmem:s5], [sflag:$0x1] =	stream.indirect.gather [hbm4b:s7+s20], $0x20, s6, s20, $0xb8;
	[tilespmem:$0x14400] =	vst v63  }
0x62: {  	s6 =	sadd.s32 $0x4800, s2;
	s7 =	sadd.s32 $0xA00, s3  }
0x63: {  	[tilespmem:s6], [sflag:$0x1] =	stream.indirect.gather [hbm4b:s8+s20], $0x20, s7, s20, $0xb8;
	[tilespmem:$0x14400] =	vst v63  }
0x64: {  	s6 =	sadd.s32 $0x4C00, s2;
	s7 =	sadd.s32 $0xC00, s3  }
0x65: {  	[tilespmem:s6], [sflag:$0x1] =	stream.indirect.gather [hbm4b:s9+s20], $0x20, s7, s20, $0xb8;
	[tilespmem:$0x14400] =	vst v63  }
0x66: {  	s6 =	sadd.s32 $0x5000, s2;
	s7 =	sadd.s32 $0xE00, s3  }
0x67: {  	[tilespmem:s6], [sflag:$0x1] =	stream.indirect.gather [hbm4b:s10+s20], $0x20, s7, s20, $0xb8;
	[tilespmem:$0x14400] =	vst v63  }
0x68: {  	s6 =	sadd.s32 $0x5400, s2;
	s7 =	sadd.s32 $0x1000, s3  }
0x69: {  	[tilespmem:s6], [sflag:$0x1] =	stream.indirect.gather [hbm4b:s11+s20], $0x20, s7, s20, $0xb8;
	[tilespmem:$0x14400] =	vst v63  }
0x6a: {  	s6 =	sadd.s32 $0x5800, s2;
	s7 =	sadd.s32 $0x1200, s3  }
0x6b: {  	[tilespmem:s6], [sflag:$0x1] =	stream.indirect.gather [hbm4b:s12+s20], $0x20, s7, s20, $0xb8;
	[tilespmem:$0x14400] =	vst v63  }
0x6c: {  	s6 =	sadd.s32 $0x5C00, s2;
	s7 =	sadd.s32 $0x1400, s3  }
0x6d: {  	[tilespmem:s6], [sflag:$0x1] =	stream.indirect.gather [hbm4b:s13+s20], $0x20, s7, s20, $0xb8;
	[tilespmem:$0x14400] =	vst v63  }
0x6e: {  	s6 =	sadd.s32 $0x6000, s2;
	s7 =	sadd.s32 $0x1600, s3  }
0x6f: {  	[tilespmem:s6], [sflag:$0x1] =	stream.indirect.gather [hbm4b:s14+s20], $0x20, s7, s20, $0xb8;
	[tilespmem:$0x14400] =	vst v63  }
0x70: {  	s6 =	sadd.s32 $0x6400, s2;
	s7 =	sadd.s32 $0x1800, s3  }
0x71: {  	[tilespmem:s6], [sflag:$0x1] =	stream.indirect.gather [hbm4b:s15+s20], $0x20, s7, s20, $0xb8;
	[tilespmem:$0x14400] =	vst v63  }
0x72: {  	s6 =	sadd.s32 $0x6800, s2;
	s7 =	sadd.s32 $0x1A00, s3  }
0x73: {  	[tilespmem:s6], [sflag:$0x1] =	stream.indirect.gather [hbm4b:s16+s20], $0x20, s7, s20, $0xb8;
	[tilespmem:$0x14400] =	vst v63  }
0x74: {  	s6 =	sadd.s32 $0x6C00, s2;
	s7 =	sadd.s32 $0x1C00, s3  }
0x75: {  	[tilespmem:s6], [sflag:$0x1] =	stream.indirect.gather [hbm4b:s17+s20], $0x20, s7, s20, $0xb8;
	[tilespmem:$0x14400] =	vst v63  }
0x76: {  	s6 =	sadd.s32 $0x7000, s2;
	s7 =	sadd.s32 $0x1E00, s3  }
0x77: {  	[tilespmem:s6], [sflag:$0x1] =	stream.indirect.gather [hbm4b:s18+s20], $0x20, s7, s20, $0xb8;
	[tilespmem:$0x14400] =	vst v63  }
0x78: {  	s6 =	sadd.s32 $0x7400, s2;
	s7 =	sadd.s32 $0x2000, s3  }
0x79: {  	[tilespmem:s6], [sflag:$0x1] =	stream.indirect.gather [hbm4b:s19+s20], $0x20, s7, s20, $0xb8;
	[tilespmem:$0x14400] =	vst v63  }
0x7a: {  	s6 =	sadd.s32 $0x7800, s2;
	s7 =	sadd.s32 $0x2200, s3  }
0x7b: {  	[tilespmem:s6], [sflag:$0x1] =	stream.indirect.gather [hbm4b:s21+s20], $0x20, s7, s20, $0xb8;
	[tilespmem:$0x14400] =	vst v63  }
0x7c: {  	s6 =	sadd.s32 $0x7C00, s2;
	s7 =	sadd.s32 $0x2400, s3  }
0x7d: {  	[tilespmem:s6], [sflag:$0x1] =	stream.indirect.gather [hbm4b:s22+s20], $0x20, s7, s20, $0xb8;
	[tilespmem:$0x14400] =	vst v63  }
0x7e: {  	s6 =	sor.u32 $0x8000, s2;
	s7 =	sadd.s32 $0x2600, s3  }
0x7f: {  	[tilespmem:s6], [sflag:$0x1] =	stream.indirect.gather [hbm4b:s23+s20], $0x20, s7, s20, $0xb8;
	[tilespmem:$0x14400] =	vst v63  }
0x80: {  	s6 =	sor.u32 $0x8400, s2;
	s7 =	sadd.s32 $0x2800, s3  }
0x81: {  	[tilespmem:s6], [sflag:$0x1] =	stream.indirect.gather [hbm4b:s24+s20], $0x20, s7, s20, $0xb8;
	[tilespmem:$0x14400] =	vst v63  }
0x82: {  	s6 =	sadd.s32 $0x8800, s2;
	s7 =	sadd.s32 $0x2A00, s3  }
0x83: {  	[tilespmem:s6], [sflag:$0x1] =	stream.indirect.gather [hbm4b:s25+s20], $0x20, s7, s20, $0xb8;
	[tilespmem:$0x14400] =	vst v63  }
0x84: {  	s6 =	sadd.s32 $0x8C00, s2;
	s7 =	sadd.s32 $0x2C00, s3  }
0x85: {  	[tilespmem:s6], [sflag:$0x1] =	stream.indirect.gather [hbm4b:s26+s20], $0x20, s7, s20, $0xb8;
	[tilespmem:$0x14400] =	vst v63  }
0x86: {  	s6 =	sor.u32 $0x9000, s2;
	s7 =	sadd.s32 $0x2E00, s3  }
0x87: {  	[tilespmem:s6], [sflag:$0x1] =	stream.indirect.gather [hbm4b:s28+s20], $0x20, s7, s20, $0xb8;
	[tilespmem:$0x14400] =	vst v63  }
0x88: {  	s6 =	sor.u32 $0x9400, s2;
	s7 =	sadd.s32 $0x3000, s3  }
0x89: {  	[tilespmem:s6], [sflag:$0x1] =	stream.indirect.gather [hbm4b:s30+s20], $0x20, s7, s20, $0xb8;
	[tilespmem:$0x14400] =	vst v63  }
0x8a: {  	s2 =	sadd.s32 $0x9800, s2;
	s3 =	sadd.s32 $0x3200, s3  }
0x8b: {  	[tilespmem:s2], [sflag:$0x1] =	stream.indirect.gather [hbm4b:s31+s20], $0x20, s3, s20, $0xb8;
	[tilespmem:$0x14400] =	vst v63  }
.LBB2_5:
0x8c: {  	s0 =	sand.u32 $0x1, s0  }
0x8d: {  	p0 =	seq.s32 s0, $0x1;
	s0 =	simm.s32 $0x9C00  }
0x8e: {  	s0 =	simm.s32 @!p0 $0x3400  }
0x8f: {  	v1 =	vmov s0;
	_ =	sdelay $0x3  }
0x90: {  	s0 =	simm.s32 $0x0  }
0x91: {  	v2 =	vld.idx.msk [tilespmem:v1+s0+$0x410 ss:$0x1], $0xffff  }
0x92: {  	v3 =	vld.idx.msk [tilespmem:v1+s0+$0x400 ss:$0x1], $0xffff  }
0x93: {  	v0 =	vmov s1;
	s2 =	simm.s32 $0x80;
	v4 =	vld.idx.msk [tilespmem:v1+s0+$0x0 ss:$0x1], $0xffff  }
.LBB2_6:
0x94: {  	p0 =	seq.s32 s2, $0xF80;
	v5 =	vld.idx.msk [tilespmem:v1+s0+$0x10 ss:$0x1], $0xffff  }
0x95: {  	v6 =	vld.idx.msk [tilespmem:v1+s0+$0x800 ss:$0x1], $0xffff  }
0x96: {  	v7 =	vld.idx.msk [tilespmem:v1+s0+$0x810 ss:$0x1], $0xffff  }
0x97: {  	v8 =	vld.idx.msk [tilespmem:v1+s0+$0xC00 ss:$0x1], $0xffff  }
0x98: {  	v9 =	vld.idx.msk [tilespmem:v1+s0+$0xC10 ss:$0x1], $0xffff  }
0x99: {  	v3 =	vadd.f32 v3, v4;
	v4 =	vld.idx.msk [tilespmem:v1+s0+$0x1000 ss:$0x1], $0xffff  }
0x9a: {  	v2 =	vadd.f32 v2, v5;
	v5 =	vld.idx.msk [tilespmem:v1+s0+$0x1010 ss:$0x1], $0xffff  }
0x9b: {  	v3 =	vadd.f32 v6, v3;
	v6 =	vld.idx.msk [tilespmem:v1+s0+$0x1400 ss:$0x1], $0xffff  }
0x9c: {  	v2 =	vadd.f32 v7, v2;
	v7 =	vld.idx.msk [tilespmem:v1+s0+$0x1410 ss:$0x1], $0xffff  }
0x9d: {  	v3 =	vadd.f32 v8, v3;
	v8 =	vld.idx.msk [tilespmem:v1+s0+$0x1800 ss:$0x1], $0xffff  }
0x9e: {  	v2 =	vadd.f32 v9, v2;
	v9 =	vld.idx.msk [tilespmem:v1+s0+$0x1810 ss:$0x1], $0xffff  }
0x9f: {  	v3 =	vadd.f32 v4, v3;
	v4 =	vld.idx.msk [tilespmem:v1+s0+$0x1C00 ss:$0x1], $0xffff  }
0xa0: {  	v2 =	vadd.f32 v5, v2;
	v5 =	vld.idx.msk [tilespmem:v1+s0+$0x1C10 ss:$0x1], $0xffff  }
0xa1: {  	v3 =	vadd.f32 v6, v3;
	v6 =	vld.idx.msk [tilespmem:v1+s0+$0x2000 ss:$0x1], $0xffff  }
0xa2: {  	v2 =	vadd.f32 v7, v2;
	v7 =	vld.idx.msk [tilespmem:v1+s0+$0x2010 ss:$0x1], $0xffff  }
0xa3: {  	v3 =	vadd.f32 v8, v3;
	v8 =	vld.idx.msk [tilespmem:v1+s0+$0x2400 ss:$0x1], $0xffff  }
0xa4: {  	v2 =	vadd.f32 v9, v2;
	v9 =	vld.idx.msk [tilespmem:v1+s0+$0x2410 ss:$0x1], $0xffff  }
0xa5: {  	v3 =	vadd.f32 v4, v3;
	v4 =	vld.idx.msk [tilespmem:v1+s0+$0x2800 ss:$0x1], $0xffff  }
0xa6: {  	v2 =	vadd.f32 v5, v2;
	v5 =	vld.idx.msk [tilespmem:v1+s0+$0x2810 ss:$0x1], $0xffff  }
0xa7: {  	v3 =	vadd.f32 v6, v3;
	v6 =	vld.idx.msk [tilespmem:v1+s0+$0x2C00 ss:$0x1], $0xffff  }
0xa8: {  	v2 =	vadd.f32 v7, v2;
	v7 =	vld.idx.msk [tilespmem:v1+s0+$0x2C10 ss:$0x1], $0xffff  }
0xa9: {  	v3 =	vadd.f32 v8, v3;
	v8 =	vld.idx.msk [tilespmem:v1+s0+$0x3000 ss:$0x1], $0xffff  }
0xaa: {  	v2 =	vadd.f32 v9, v2;
	v9 =	vld.idx.msk [tilespmem:v1+s0+$0x3010 ss:$0x1], $0xffff  }
0xab: {  	v3 =	vadd.f32 v4, v3;
	v4 =	vld.idx.msk [tilespmem:v1+s0+$0x3400 ss:$0x1], $0xffff  }
0xac: {  	v2 =	vadd.f32 v5, v2;
	v5 =	vld.idx.msk [tilespmem:v1+s0+$0x3410 ss:$0x1], $0xffff  }
0xad: {  	v3 =	vadd.f32 v6, v3;
	v6 =	vld.idx.msk [tilespmem:v1+s0+$0x3800 ss:$0x1], $0xffff  }
0xae: {  	v2 =	vadd.f32 v7, v2;
	v7 =	vld.idx.msk [tilespmem:v1+s0+$0x3810 ss:$0x1], $0xffff  }
0xaf: {  	v3 =	vadd.f32 v8, v3;
	v8 =	vld.idx.msk [tilespmem:v1+s0+$0x3C00 ss:$0x1], $0xffff  }
0xb0: {  	v2 =	vadd.f32 v9, v2;
	v9 =	vld.idx.msk [tilespmem:v1+s0+$0x3C10 ss:$0x1], $0xffff  }
0xb1: {  	v3 =	vadd.f32 v4, v3;
	v4 =	vld.idx.msk [tilespmem:v1+s0+$0x4000 ss:$0x1], $0xffff  }
0xb2: {  	v2 =	vadd.f32 v5, v2;
	v5 =	vld.idx.msk [tilespmem:v1+s0+$0x4010 ss:$0x1], $0xffff  }
0xb3: {  	v3 =	vadd.f32 v6, v3;
	v6 =	vld.idx.msk [tilespmem:v1+s0+$0x4400 ss:$0x1], $0xffff  }
0xb4: {  	v2 =	vadd.f32 v7, v2;
	v7 =	vld.idx.msk [tilespmem:v1+s0+$0x4410 ss:$0x1], $0xffff  }
0xb5: {  	v3 =	vadd.f32 v8, v3;
	v8 =	vld.idx.msk [tilespmem:v1+s0+$0x4800 ss:$0x1], $0xffff  }
0xb6: {  	v2 =	vadd.f32 v9, v2;
	v9 =	vld.idx.msk [tilespmem:v1+s0+$0x4810 ss:$0x1], $0xffff  }
0xb7: {  	v3 =	vadd.f32 v4, v3;
	v4 =	vld.idx.msk [tilespmem:v1+s0+$0x4C00 ss:$0x1], $0xffff  }
0xb8: {  	v2 =	vadd.f32 v5, v2;
	v5 =	vld.idx.msk [tilespmem:v1+s0+$0x4C10 ss:$0x1], $0xffff  }
0xb9: {  	v3 =	vadd.f32 v6, v3;
	v6 =	vld.idx.msk [tilespmem:v1+s0+$0x5000 ss:$0x1], $0xffff  }
0xba: {  	v2 =	vadd.f32 v7, v2;
	v7 =	vld.idx.msk [tilespmem:v1+s0+$0x5010 ss:$0x1], $0xffff  }
0xbb: {  	v3 =	vadd.f32 v8, v3;
	v8 =	vld.idx.msk [tilespmem:v1+s0+$0x5400 ss:$0x1], $0xffff  }
0xbc: {  	v2 =	vadd.f32 v9, v2;
	v9 =	vld.idx.msk [tilespmem:v1+s0+$0x5410 ss:$0x1], $0xffff  }
0xbd: {  	v3 =	vadd.f32 v4, v3;
	v4 =	vld.idx.msk [tilespmem:v1+s0+$0x5800 ss:$0x1], $0xffff  }
0xbe: {  	v2 =	vadd.f32 v5, v2;
	v5 =	vld.idx.msk [tilespmem:v1+s0+$0x5810 ss:$0x1], $0xffff  }
0xbf: {  	v3 =	vadd.f32 v6, v3;
	v6 =	vld.idx.msk [tilespmem:v1+s0+$0x5C00 ss:$0x1], $0xffff  }
0xc0: {  	v2 =	vadd.f32 v7, v2;
	v7 =	vld.idx.msk [tilespmem:v1+s0+$0x5C10 ss:$0x1], $0xffff  }
0xc1: {  	v3 =	vadd.f32 v8, v3;
	v8 =	vld.idx.msk [tilespmem:v1+s0+$0x6000 ss:$0x1], $0xffff  }
0xc2: {  	v2 =	vadd.f32 v9, v2;
	v9 =	vld.idx.msk [tilespmem:v1+s0+$0x6010 ss:$0x1], $0xffff  }
0xc3: {  	v3 =	vadd.f32 v4, v3;
	v4 =	vld.idx.msk [tilespmem:v1+s0+$0x6400 ss:$0x1], $0xffff  }
0xc4: {  	v2 =	vadd.f32 v5, v2;
	v5 =	vld.idx.msk [tilespmem:v1+s0+$0x6410 ss:$0x1], $0xffff  }
0xc5: {  	v3 =	vadd.f32 v6, v3  }
0xc6: {  	v2 =	vadd.f32 v7, v2  }
0xc7: {  	v3 =	vadd.f32 v8, v3  }
0xc8: {  	v2 =	vadd.f32 v9, v2  }
0xc9: {  	v3 =	vadd.f32 v4, v3  }
0xca: {  	v2 =	vadd.f32 v5, v2  }
.Ltmp1:
0xcb: {  	[tilespmem:v0+s0+$0xFFFFFFF0 ss:$0x1] =	vst.idx.msk $0xffff, v3;
	(pc) =	sbr.rel @!p0 .LBB2_6-.Ltmp1, $4  }
0xcc: {  	[tilespmem:v0+s0+$0x0 ss:$0x1] =	vst.idx.msk $0xffff, v2;
	s0 =	sshra.s32 s2, $0x2  }
0xcd: {  	v2 =	vld.idx.msk [tilespmem:v1+s0+$0x410 ss:$0x1], $0xffff  }
0xce: {  	v3 =	vld.idx.msk [tilespmem:v1+s0+$0x400 ss:$0x1], $0xffff  }
0xcf: {  	s2 =	sadd.s32 $0x80, s2;
	v4 =	vld.idx.msk [tilespmem:v1+s0+$0x0 ss:$0x1], $0xffff  }
0xd0: {  	_ =	sdelay $0x3  }
0xd1: {  	v5 =	vld.idx.msk [tilespmem:v1+s0+$0x10 ss:$0x1], $0xffff  }
0xd2: {  	v6 =	vld.idx.msk [tilespmem:v1+s0+$0x800 ss:$0x1], $0xffff  }
0xd3: {  	v7 =	vld.idx.msk [tilespmem:v1+s0+$0x810 ss:$0x1], $0xffff  }
0xd4: {  	v8 =	vld.idx.msk [tilespmem:v1+s0+$0xC00 ss:$0x1], $0xffff  }
0xd5: {  	v9 =	vld.idx.msk [tilespmem:v1+s0+$0xC10 ss:$0x1], $0xffff;
	v3 =	vadd.f32 v3, v4  }
0xd6: {  	v20 =	vld.idx.msk [tilespmem:v1+s0+$0x1000 ss:$0x1], $0xffff;
	v2 =	vadd.f32 v2, v5  }
0xd7: {  	v21 =	vld.idx.msk [tilespmem:v1+s0+$0x1010 ss:$0x1], $0xffff;
	v3 =	vadd.f32 v6, v3  }
0xd8: {  	v22 =	vld.idx.msk [tilespmem:v1+s0+$0x1400 ss:$0x1], $0xffff;
	v2 =	vadd.f32 v7, v2  }
0xd9: {  	v23 =	vld.idx.msk [tilespmem:v1+s0+$0x1410 ss:$0x1], $0xffff;
	v3 =	vadd.f32 v8, v3  }
0xda: {  	v24 =	vld.idx.msk [tilespmem:v1+s0+$0x1800 ss:$0x1], $0xffff;
	v2 =	vadd.f32 v9, v2  }
0xdb: {  	v25 =	vld.idx.msk [tilespmem:v1+s0+$0x1810 ss:$0x1], $0xffff;
	v3 =	vadd.f32 v20, v3  }
0xdc: {  	v26 =	vld.idx.msk [tilespmem:v1+s0+$0x1C00 ss:$0x1], $0xffff;
	v2 =	vadd.f32 v21, v2  }
0xdd: {  	v27 =	vld.idx.msk [tilespmem:v1+s0+$0x1C10 ss:$0x1], $0xffff;
	v3 =	vadd.f32 v22, v3  }
0xde: {  	v28 =	vld.idx.msk [tilespmem:v1+s0+$0x2000 ss:$0x1], $0xffff;
	v2 =	vadd.f32 v23, v2  }
0xdf: {  	v29 =	vld.idx.msk [tilespmem:v1+s0+$0x2010 ss:$0x1], $0xffff;
	v3 =	vadd.f32 v24, v3  }
0xe0: {  	v30 =	vld.idx.msk [tilespmem:v1+s0+$0x2400 ss:$0x1], $0xffff;
	v2 =	vadd.f32 v25, v2  }
0xe1: {  	v31 =	vld.idx.msk [tilespmem:v1+s0+$0x2410 ss:$0x1], $0xffff;
	v3 =	vadd.f32 v26, v3  }
0xe2: {  	v32 =	vld.idx.msk [tilespmem:v1+s0+$0x2800 ss:$0x1], $0xffff;
	v2 =	vadd.f32 v27, v2  }
0xe3: {  	v33 =	vld.idx.msk [tilespmem:v1+s0+$0x2810 ss:$0x1], $0xffff;
	v3 =	vadd.f32 v28, v3  }
0xe4: {  	v34 =	vld.idx.msk [tilespmem:v1+s0+$0x2C00 ss:$0x1], $0xffff;
	v2 =	vadd.f32 v29, v2  }
0xe5: {  	v35 =	vld.idx.msk [tilespmem:v1+s0+$0x2C10 ss:$0x1], $0xffff;
	v3 =	vadd.f32 v30, v3  }
0xe6: {  	v36 =	vld.idx.msk [tilespmem:v1+s0+$0x3000 ss:$0x1], $0xffff;
	v2 =	vadd.f32 v31, v2  }
0xe7: {  	v37 =	vld.idx.msk [tilespmem:v1+s0+$0x3010 ss:$0x1], $0xffff;
	v3 =	vadd.f32 v32, v3  }
0xe8: {  	v38 =	vld.idx.msk [tilespmem:v1+s0+$0x3400 ss:$0x1], $0xffff;
	v2 =	vadd.f32 v33, v2  }
0xe9: {  	v39 =	vld.idx.msk [tilespmem:v1+s0+$0x3410 ss:$0x1], $0xffff;
	v3 =	vadd.f32 v34, v3  }
0xea: {  	v40 =	vld.idx.msk [tilespmem:v1+s0+$0x3800 ss:$0x1], $0xffff;
	v2 =	vadd.f32 v35, v2  }
0xeb: {  	v41 =	vld.idx.msk [tilespmem:v1+s0+$0x3810 ss:$0x1], $0xffff;
	v3 =	vadd.f32 v36, v3  }
0xec: {  	v42 =	vld.idx.msk [tilespmem:v1+s0+$0x3C00 ss:$0x1], $0xffff;
	v2 =	vadd.f32 v37, v2  }
0xed: {  	v43 =	vld.idx.msk [tilespmem:v1+s0+$0x3C10 ss:$0x1], $0xffff;
	v3 =	vadd.f32 v38, v3  }
0xee: {  	v44 =	vld.idx.msk [tilespmem:v1+s0+$0x4000 ss:$0x1], $0xffff;
	v2 =	vadd.f32 v39, v2  }
0xef: {  	v45 =	vld.idx.msk [tilespmem:v1+s0+$0x4010 ss:$0x1], $0xffff;
	v3 =	vadd.f32 v40, v3  }
0xf0: {  	v46 =	vld.idx.msk [tilespmem:v1+s0+$0x4400 ss:$0x1], $0xffff;
	v2 =	vadd.f32 v41, v2  }
0xf1: {  	v47 =	vld.idx.msk [tilespmem:v1+s0+$0x4410 ss:$0x1], $0xffff;
	v3 =	vadd.f32 v42, v3  }
0xf2: {  	v48 =	vld.idx.msk [tilespmem:v1+s0+$0x4800 ss:$0x1], $0xffff;
	v2 =	vadd.f32 v43, v2  }
0xf3: {  	v49 =	vld.idx.msk [tilespmem:v1+s0+$0x4810 ss:$0x1], $0xffff;
	v3 =	vadd.f32 v44, v3  }
0xf4: {  	v50 =	vld.idx.msk [tilespmem:v1+s0+$0x4C00 ss:$0x1], $0xffff;
	v2 =	vadd.f32 v45, v2  }
0xf5: {  	v51 =	vld.idx.msk [tilespmem:v1+s0+$0x4C10 ss:$0x1], $0xffff;
	v3 =	vadd.f32 v46, v3  }
0xf6: {  	v52 =	vld.idx.msk [tilespmem:v1+s0+$0x5000 ss:$0x1], $0xffff;
	v2 =	vadd.f32 v47, v2  }
0xf7: {  	v53 =	vld.idx.msk [tilespmem:v1+s0+$0x5010 ss:$0x1], $0xffff;
	v3 =	vadd.f32 v48, v3  }
0xf8: {  	v54 =	vld.idx.msk [tilespmem:v1+s0+$0x5400 ss:$0x1], $0xffff;
	v2 =	vadd.f32 v49, v2  }
0xf9: {  	v55 =	vld.idx.msk [tilespmem:v1+s0+$0x5410 ss:$0x1], $0xffff;
	v3 =	vadd.f32 v50, v3  }
0xfa: {  	v56 =	vld.idx.msk [tilespmem:v1+s0+$0x5800 ss:$0x1], $0xffff;
	v2 =	vadd.f32 v51, v2  }
0xfb: {  	v57 =	vld.idx.msk [tilespmem:v1+s0+$0x5810 ss:$0x1], $0xffff;
	v3 =	vadd.f32 v52, v3  }
0xfc: {  	v58 =	vld.idx.msk [tilespmem:v1+s0+$0x5C00 ss:$0x1], $0xffff;
	v2 =	vadd.f32 v53, v2  }
0xfd: {  	v59 =	vld.idx.msk [tilespmem:v1+s0+$0x5C10 ss:$0x1], $0xffff;
	v3 =	vadd.f32 v54, v3  }
0xfe: {  	v60 =	vld.idx.msk [tilespmem:v1+s0+$0x6000 ss:$0x1], $0xffff;
	v2 =	vadd.f32 v55, v2  }
0xff: {  	v61 =	vld.idx.msk [tilespmem:v1+s0+$0x6010 ss:$0x1], $0xffff;
	v3 =	vadd.f32 v56, v3  }
0x100: {  	v62 =	vld.idx.msk [tilespmem:v1+s0+$0x6400 ss:$0x1], $0xffff;
	v2 =	vadd.f32 v57, v2  }
0x101: {  	v63 =	vld.idx.msk [tilespmem:v1+s0+$0x6410 ss:$0x1], $0xffff;
	v3 =	vadd.f32 v58, v3  }
0x102: {  	v2 =	vadd.f32 v59, v2  }
0x103: {  	v3 =	vadd.f32 v60, v3  }
0x104: {  	v2 =	vadd.f32 v61, v2  }
0x105: {  	v3 =	vadd.f32 v62, v3  }
0x106: {  	v1 =	vadd.f32 v63, v2  }
0x107: {  	[tilespmem:v0+s0+$0xFFFFFFF0 ss:$0x1] =	vst.idx.msk $0xffff, v3  }
0x108: {  	[tilespmem:v0+s0+$0x0 ss:$0x1] =	vst.idx.msk $0xffff, v1  }
0x109: {  	p0 =	seq.s32 s4, $0x10  }
.Ltmp2:
0x10a: {  	_ = 	snop;
	(pc) =	sbr.rel @!p0 .LBB2_3-.Ltmp2, $2  }
0x10b: {  	_ =	sdelay $0x2  }
0x10c: {  	s1 =	sadd.s32 $0x400, s1;
	s0 =	smov.u32 s4  }
0x10d: {  	s0 =	simm.s32 $0x0  }
0x10e: {  	s1 =	rddreg [dreg:$0x9];
	s2 =	simm.s32 $0x10400;
	s4 =	simm.s32 $0x2  }
0x10f: {  	[hbm4b:s1+s0] =	stream.linear.scatter [tilespmem:s2], [sflag:$0x2], $0x4000, $0x38;
	[tilespmem:$0x14400] =	vst v63  }
0x110: {  	_ =	swait.ge [sflag:s4], $0x4000  }
0x111: {  	s6 =	rddreg [dreg:$0xb]  }
0x112: {  	s7 =	rddreg [dreg:$0xa];
	s2 =	sadd.s32 $0x1, s6  }
0x113: {  	p0 =	sne.s32 s2, s7  }
.Ltmp3:
0x114: {  	_ = 	snop;
	(pc) =	sbr.rel @p0 .LBB2_1-.Ltmp3, $3  }
0x115: {  	_ =	sdelay $0x1  }
0x116: {  	[sflag:s4] =	ssyncset.done $0x0  }
0x117: {  	[sflag:s4] =	ssyncadd.s32 $0xFFFFC000  }
0x118: {  	_ =	sfence.sel $0x180000  }
0x119: {  	[bflag:$0x0] =	sbarrier.arrive $0xFFFF  }
0x11a: {  	_ =	strace $0x90000047  }
0x11b: {  	s0 =	stileid.u32;
	[bflag:$0x2] =	sbarrier.arrive $0xFFFF  }
0x11c: {  	p0 =	sne.s32 s0, $0x0;
	s0 =	rddreg [dreg:$0x2]  }
0x11d: {  	s0 =	sadd.s32 @!p0 $0x100000, s0  }
0x11e: {  	[sflag:s0] =	ssyncadd.tile.s32 @!p0 $0x1;
	_ =	shalt  }
.Lfunc_end2:
_tile_overlayer_lowered:
.L_overlay_start_2:
0x11f: {  	(tag) =	ssettag $0x2  }
0x120: {  	s0 =	rddreg [dreg:$0x0];
	s2 =	stileid.u32  }
0x121: {  	s1 =	rddreg [dreg:$0x1];
	p0 =	sne.s32 s2, $0x0  }
0x122: {  	s3 =	rddreg [dreg:$0x2];
	[bflag:$0x3] =	sbarrier.arrive $0xFFFF;
	s2 =	simm.s32 @!p0 $0x1C02  }
0x123: {  	[timem:s3], [sflag:s2] =	dma.local @!p0 [hbm:s0], s1  }
0x124: {  	s0 =	simm.s32 @!p0 $0x2  }
0x125: {  	_ =	swait.ge @!p0 [sflag:s0], s1  }
0x126: {  	s1 =	ssub.s32 @!p0 $0x0, s1;
	[sflag:s0] =	ssyncset.done @!p0 $0x0  }
0x127: {  	[sflag:s0] =	ssyncadd.s32 @!p0 s1  }
0x128: {  	[bflag:$0x3] =	sbarrier.arrive $0xFFFF  }
0x129: {  	_ =	shalt  }

</sc_bundles>
